<compile_context>
chip_gen: v7x
topology: tpu7x:2x2x1
jax: 0.10.2.dev20260603
libtpu: 0.0.44.dev20260713+nightly
codegen_flags: <defaults>
</compile_context>

<pallas_src>
import functools

import jax
import jax.numpy as jnp
from jax import lax
from jax.experimental import pallas as pl
from jax.experimental.pallas import tpu as pltpu
from jax.experimental.pallas import tpu_sc as plsc

M = 1000000
D = 32
B = 819200

NC = 2
NS = 16
MC = 25000
NCHUNK = M // MC
CPC = NCHUNK // NC
SLICE = B // NS
NVEC = SLICE // 16
ROWS_PER_TILE = 1568
LAST_OFF = MC - ROWS_PER_TILE
TRASH = 16
PCAP = 2816
GRP = 8


def _body(mem_hbm, idx_hbm, val_hbm, out_hbm, idx_v, pos_v, loc_v, rows_v,
          chunk_sh, gsem, ssem):
    cid = lax.axis_index("c")
    sid = lax.axis_index("s")

    pltpu.sync_copy(idx_hbm.at[sid], idx_v)

    lane = lax.iota(jnp.int32, 16)

    def per_chunk(k, _):
        c = cid * CPC + k
        lo = c * MC

        row_off = jnp.minimum(sid * ROWS_PER_TILE, LAST_OFF)
        pltpu.sync_copy(
            mem_hbm.at[pl.ds(lo + row_off, ROWS_PER_TILE)],
            chunk_sh.at[pl.ds(row_off, ROWS_PER_TILE)],
        )
        plsc.subcore_barrier()

        def scan(j, off):
            v = idx_v[pl.ds(j * 16, 16)]
            m = (v >= lo) & (v < lo + MC)
            posvec = (sid * SLICE + j * 16) + lane
            tgt = (off - 1) + plsc.cumsum(m.astype(jnp.int32))
            plsc.store_scatter(pos_v, [tgt], posvec, mask=m)
            plsc.store_scatter(loc_v, [tgt], v - lo, mask=m)
            return off + jnp.sum(m.astype(jnp.int32))

        off = lax.fori_loop(0, NVEC, scan, jnp.int32(0))

        for r in range(GRP):
            pos_v[pl.ds(off + r * 16, 16)] = (sid * SLICE + r * 16) + lane
            loc_v[pl.ds(off + r * 16, 16)] = MC + lane

        ng = (off + GRP * 16 - 1) // (GRP * 16)

        def drain(g, _):
            base = g * GRP
            gathers = []
            for r in range(GRP):
                pv = pos_v[pl.ds((base + r) * 16, 16)]
                gathers.append(
                    pltpu.async_copy(val_hbm.at[pv], rows_v.at[r], gsem))
            for h in gathers:
                h.wait()
            adds = []
            for r in range(GRP):
                lv = loc_v[pl.ds((base + r) * 16, 16)]
                adds.append(
                    pltpu.async_copy(rows_v.at[r], chunk_sh.at[lv], ssem,
                                     add=True))
            for h in adds:
                h.wait()
            return 0

        lax.fori_loop(0, ng, drain, 0)
        plsc.subcore_barrier()

        pltpu.sync_copy(
            chunk_sh.at[pl.ds(row_off, ROWS_PER_TILE)],
            out_hbm.at[pl.ds(lo + row_off, ROWS_PER_TILE)],
        )
        return 0

    lax.fori_loop(0, CPC, per_chunk, 0)


@jax.jit
def _scatter_add(mem, idx, val):
    mesh = plsc.VectorSubcoreMesh(core_axis_name="c", subcore_axis_name="s")
    return pl.kernel(
        _body,
        mesh=mesh,
        compiler_params=pltpu.CompilerParams(
            use_tc_tiling_on_sc=False, needs_layout_passes=False
        ),
        out_type=jax.ShapeDtypeStruct((M, D), jnp.float32),
        scratch_types=[
            pltpu.VMEM((SLICE,), jnp.int32),
            pltpu.VMEM((PCAP,), jnp.int32),
            pltpu.VMEM((PCAP,), jnp.int32),
            pltpu.VMEM((GRP, 16, D), jnp.float32),
            pltpu.VMEM_SHARED((MC + TRASH, D), jnp.float32),
            pltpu.SemaphoreType.DMA,
            pltpu.SemaphoreType.DMA,
        ],
    )(mem, idx.reshape(NS, SLICE), val)


def kernel(mem, idx, val):
    return _scatter_add(mem, idx, val)

# --- scband reference (transcript-rebuilt; emitter-appended) ---
"""Pipeline reference for scband-deep-mem-40089224741409 (READ-ONLY COPY).

The authoritative reference and input builder live on the scoring server;
editing this copy changes nothing except your own understanding.
"""

import jax, jax.numpy as jnp
import numpy as np

M = 1000000
D = 32
B = 819200

def setup_inputs(seed: int = 0) -> dict:
    key = jax.random.key(seed)
    k1, k2, k3 = jax.random.split(key, 3)
    mem = jax.random.normal(k1, (M, D), dtype=jnp.float32)
    idx = jax.random.randint(k2, (B,), 0, M, dtype=jnp.int64 if jax.config.read('jax_enable_x64') else jnp.int32).astype(jnp.int32)
    val = jax.random.normal(k3, (B, D), dtype=jnp.float32)
    return {"mem": mem, "idx": idx, "val": val}

def reference(mem, idx, val):
    # Core of Deep_Mem.store_torch_coo: accumulate relation vectors into a
    # persistent associative memory via scatter-add (sparse COO add in torch).
    # mem.add_(sparse_coo_tensor(indices=rel_vec.T, values=ones)) is equivalent
    # to a dense scatter-add of the contributed values at the indexed rows.
    new_mem = mem.at[idx].add(val)
    return new_mem

if __name__ == "__main__":
    import jax
    _d = setup_inputs()
    print(jax.jit(kernel)(*tuple(_d.values())))

</pallas_src>

<mosaic_0001>
#map = affine_map<(d0, d1) -> (0, 0)>
module attributes {stable_mosaic.version = 14 : i64} {
  func.func @_body(%arg0: i32, %arg1: i32, %arg2: memref<1000000x32xf32, #tpu.memory_space<hbm>>, %arg3: memref<16x51200xi32, #tpu.memory_space<hbm>>, %arg4: memref<819200x32xf32, #tpu.memory_space<hbm>>, %arg5: memref<1000000x32xf32, #tpu.memory_space<hbm>>, %arg6: memref<51200xi32, #tpu.memory_space<vmem>>, %arg7: memref<2816xi32, #tpu.memory_space<vmem>>, %arg8: memref<2816xi32, #tpu.memory_space<vmem>>, %arg9: memref<8x16x32xf32, #tpu.memory_space<vmem>>, %arg10: memref<25016x32xf32, #tpu.memory_space<vmem_shared>>, %arg11: memref<!tpu.dma_semaphore, #tpu.memory_space<semaphore_mem>>, %arg12: memref<!tpu.dma_semaphore, #tpu.memory_space<semaphore_mem>>) attributes {dimension_semantics = [#tpu.dimension_semantics<core_parallel>, #tpu.dimension_semantics<subcore_parallel>], iteration_bounds = array<i64: 2, 16>, scalar_prefetch = 0 : i64, scratch_operands = 7 : i64, tpu.core_type = #tpu.core_type<sc_vector_subcore>, window_params = [{transform_indices = #map}, {transform_indices = #map}, {transform_indices = #map}, {transform_indices = #map}]} {
    "tpu.region"() ({
      %run_scoped3A = tpu.sem_alloc : memref<!tpu.dma_semaphore, #tpu.memory_space<semaphore_mem>>
      %dma_start3A = arith.constant 0 : i32
      %dma_start3A_6 = tpu.memref_slice %arg3[%arg1, %dma_start3A] : memref<16x51200xi32, #tpu.memory_space<hbm>> -> memref<1x51200xi32, #tpu.memory_space<hbm>>
      %dma_start3A_7 = tpu.memref_squeeze %dma_start3A_6 : memref<1x51200xi32, #tpu.memory_space<hbm>> -> memref<51200xi32, #tpu.memory_space<hbm>>
      %dma_start3A_8 = arith.constant 0 : i32
      %dma_start3A_9 = tpu.memref_slice %arg3[%arg1, %dma_start3A_8] : memref<16x51200xi32, #tpu.memory_space<hbm>> -> memref<1x51200xi32, #tpu.memory_space<hbm>>
      %dma_start3A_10 = tpu.memref_squeeze %dma_start3A_9 : memref<1x51200xi32, #tpu.memory_space<hbm>> -> memref<51200xi32, #tpu.memory_space<hbm>>
      tpu.enqueue_dma source(%dma_start3A_10 : memref<51200xi32, #tpu.memory_space<hbm>>) target(%arg6 : memref<51200xi32, #tpu.memory_space<vmem>>) target_semaphore(%run_scoped3A : memref<!tpu.dma_semaphore, #tpu.memory_space<semaphore_mem>>)
      %dma_wait3A = arith.constant 0 : i32
      %dma_wait3A_11 = tpu.memref_slice %arg3[%arg1, %dma_wait3A] : memref<16x51200xi32, #tpu.memory_space<hbm>> -> memref<1x51200xi32, #tpu.memory_space<hbm>>
      %dma_wait3A_12 = tpu.memref_squeeze %dma_wait3A_11 : memref<1x51200xi32, #tpu.memory_space<hbm>> -> memref<51200xi32, #tpu.memory_space<hbm>>
      %dma_wait3A_13 = arith.constant 0 : i32
      %dma_wait3A_14 = tpu.memref_slice %arg3[%arg1, %dma_wait3A_13] : memref<16x51200xi32, #tpu.memory_space<hbm>> -> memref<1x51200xi32, #tpu.memory_space<hbm>>
      %dma_wait3A_15 = tpu.memref_squeeze %dma_wait3A_14 : memref<1x51200xi32, #tpu.memory_space<hbm>> -> memref<51200xi32, #tpu.memory_space<hbm>>
      tpu.wait_dma2 semaphore(%run_scoped3A : memref<!tpu.dma_semaphore, #tpu.memory_space<semaphore_mem>>) src(%dma_wait3A_15 : memref<51200xi32, #tpu.memory_space<hbm>>) dst(%arg6 : memref<51200xi32, #tpu.memory_space<vmem>>)
      tpu.yield
    }) : () -> ()
    %iota3A = tpu.iota {dimensions = array<i32: 0>} : vector<16xi32>
    %scan3A = arith.constant 0 : i32
    %scan3A_0 = arith.constant 0 : i32
    %scan3A_1 = arith.constant 20 : i32
    %scan3A_2 = arith.addi %scan3A_0, %scan3A_1 : i32
    %scan3A_3 = arith.constant 1 : i32
    %scan3A_4 = scf.for %scan3A_6 = %scan3A_0 to %scan3A_2 step %scan3A_3 iter_args(%scan3A_7 = %scan3A) -> (i32)  : i32 {
      %mul3A = arith.constant 20 : i32
      %mul3A_8 = arith.muli %arg0, %mul3A : i32
      %add3A = arith.addi %mul3A_8, %scan3A_6 : i32
      %mul3A_9 = arith.constant 25000 : i32
      %mul3A_10 = arith.muli %add3A, %mul3A_9 : i32
      %mul3A_11 = arith.constant 1568 : i32
      %mul3A_12 = arith.muli %arg1, %mul3A_11 : i32
      %min3A = arith.constant 23432 : i32
      %min3A_13 = arith.minsi %mul3A_12, %min3A : i32
      %add3A_14 = arith.addi %mul3A_10, %min3A_13 : i32
      "tpu.region"() ({
        %run_scoped3A = tpu.sem_alloc : memref<!tpu.dma_semaphore, #tpu.memory_space<semaphore_mem>>
        %dma_start3A = arith.constant 0 : i32
        %dma_start3A_191 = tpu.memref_slice %arg10[%min3A_13, %dma_start3A] : memref<25016x32xf32, #tpu.memory_space<vmem_shared>> -> memref<1568x32xf32, #tpu.memory_space<vmem_shared>>
        %dma_start3A_192 = arith.constant 0 : i32
        %dma_start3A_193 = tpu.memref_slice %arg2[%add3A_14, %dma_start3A_192] : memref<1000000x32xf32, #tpu.memory_space<hbm>> -> memref<1568x32xf32, #tpu.memory_space<hbm>>
        tpu.enqueue_dma source(%dma_start3A_193 : memref<1568x32xf32, #tpu.memory_space<hbm>>) target(%dma_start3A_191 : memref<1568x32xf32, #tpu.memory_space<vmem_shared>>) target_semaphore(%run_scoped3A : memref<!tpu.dma_semaphore, #tpu.memory_space<semaphore_mem>>)
        %dma_wait3A = arith.constant 0 : i32
        %dma_wait3A_194 = tpu.memref_slice %arg10[%min3A_13, %dma_wait3A] : memref<25016x32xf32, #tpu.memory_space<vmem_shared>> -> memref<1568x32xf32, #tpu.memory_space<vmem_shared>>
        %dma_wait3A_195 = arith.constant 0 : i32
        %dma_wait3A_196 = tpu.memref_slice %arg2[%add3A_14, %dma_wait3A_195] : memref<1000000x32xf32, #tpu.memory_space<hbm>> -> memref<1568x32xf32, #tpu.memory_space<hbm>>
        tpu.wait_dma2 semaphore(%run_scoped3A : memref<!tpu.dma_semaphore, #tpu.memory_space<semaphore_mem>>) src(%dma_wait3A_196 : memref<1568x32xf32, #tpu.memory_space<hbm>>) dst(%dma_wait3A_194 : memref<1568x32xf32, #tpu.memory_space<vmem_shared>>)
        tpu.yield
      }) : () -> ()
      %barrier3A = arith.constant 0 : index
      tpu.barrier barrier_id(%barrier3A)
      %scan3A_15 = arith.constant 0 : i32
      %scan3A_16 = arith.constant 0 : i32
      %scan3A_17 = arith.constant 3200 : i32
      %scan3A_18 = arith.addi %scan3A_16, %scan3A_17 : i32
      %scan3A_19 = arith.constant 1 : i32
      %scan3A_20 = scf.for %scan3A_191 = %scan3A_16 to %scan3A_18 step %scan3A_19 iter_args(%scan3A_192 = %scan3A_15) -> (i32)  : i32 {
        %mul3A_193 = arith.constant 16 : i32
        %mul3A_194 = arith.muli %scan3A_191, %mul3A_193 : i32
        %get3A = arith.index_cast %mul3A_194 : i32 to index
        %get3A_195 = tpu.vector_load %arg6[%get3A] {strides = array<i32>} : memref<51200xi32, #tpu.memory_space<vmem>>, vector<16xi32>,
        %ge3A = vector.broadcast %mul3A_10 : i32 to vector<16xi32>
        %ge3A_196 = arith.cmpi sge, %get3A_195, %ge3A : vector<16xi32>
        %add3A_197 = arith.constant 25000 : i32
        %add3A_198 = arith.addi %mul3A_10, %add3A_197 : i32
        %lt3A = vector.broadcast %add3A_198 : i32 to vector<16xi32>
        %lt3A_199 = arith.cmpi slt, %get3A_195, %lt3A : vector<16xi32>
        %and3A_200 = arith.andi %ge3A_196, %lt3A_199 : vector<16xi1>
        %mul3A_201 = arith.constant 51200 : i32
        %mul3A_202 = arith.muli %arg1, %mul3A_201 : i32
        %mul3A_203 = arith.constant 16 : i32
        %mul3A_204 = arith.muli %scan3A_191, %mul3A_203 : i32
        %add3A_205 = arith.addi %mul3A_202, %mul3A_204 : i32
        %add3A_206 = vector.broadcast %add3A_205 : i32 to vector<16xi32>
        %add3A_207 = arith.addi %add3A_206, %iota3A : vector<16xi32>
        %sub3A_208 = arith.constant 1 : i32
        %sub3A_209 = arith.subi %scan3A_192, %sub3A_208 : i32
        %convert_element_type3A = arith.extui %and3A_200 : vector<16xi1> to vector<16xi32>
        %broadcast_in_dim3A = arith.constant true
        %broadcast_in_dim3A_210 = vector.broadcast %broadcast_in_dim3A : i1 to vector<16xi1>
        %masked_cumsum3A = tpu.scan <sum>, %convert_element_type3A masked %broadcast_in_dim3A_210 : vector<16xi32>, vector<16xi1> -> vector<16xi32>
        %add3A_211 = vector.broadcast %sub3A_209 : i32 to vector<16xi32>
        %add3A_212 = arith.addi %add3A_211, %masked_cumsum3A : vector<16xi32>
        tpu.vector_store_idx %arg7[%add3A_212], %add3A_207 masked %and3A_200 : memref<2816xi32, #tpu.memory_space<vmem>>[vector<16xi32>], vector<16xi32>, vector<16xi1>
        %sub3A_213 = vector.broadcast %mul3A_10 : i32 to vector<16xi32>
        %sub3A_214 = arith.subi %get3A_195, %sub3A_213 : vector<16xi32>
        tpu.vector_store_idx %arg8[%add3A_212], %sub3A_214 masked %and3A_200 : memref<2816xi32, #tpu.memory_space<vmem>>[vector<16xi32>], vector<16xi32>, vector<16xi1>
        %convert_element_type3A_215 = arith.extui %and3A_200 : vector<16xi1> to vector<16xi32>
        %reduce_sum3A = arith.constant true
        %reduce_sum3A_216 = vector.broadcast %reduce_sum3A : i1 to vector<16xi1>
        %reduce_sum3A_217 = tpu.scan <sum>, %convert_element_type3A_215 masked %reduce_sum3A_216 : vector<16xi32>, vector<16xi1> -> vector<16xi32>
        %reduce_sum3A_218 = vector.extract %reduce_sum3A_217[15] : i32 from vector<16xi32>
        %add3A_219 = arith.addi %scan3A_192, %reduce_sum3A_218 : i32
        scf.yield %add3A_219 : i32
      }
      %scan3A_21 = arith.constant 3200 : i32
      %mul3A_22 = arith.constant 51200 : i32
      %mul3A_23 = arith.muli %arg1, %mul3A_22 : i32
      %add3A_24 = arith.constant 0 : i32
      %add3A_25 = arith.addi %mul3A_23, %add3A_24 : i32
      %add3A_26 = vector.broadcast %add3A_25 : i32 to vector<16xi32>
      %add3A_27 = arith.addi %add3A_26, %iota3A : vector<16xi32>
      %add3A_28 = arith.constant 0 : i32
      %add3A_29 = arith.addi %scan3A_20, %add3A_28 : i32
      %swap3A = arith.index_cast %add3A_29 : i32 to index
      %swap3A_30 = tpu.vector_load %arg7[%swap3A] {strides = array<i32>} : memref<2816xi32, #tpu.memory_space<vmem>>, vector<16xi32>,
      tpu.vector_store %arg7[%swap3A], %add3A_27 {strides = array<i32>} : memref<2816xi32, #tpu.memory_space<vmem>>, vector<16xi32>,
      %add3A_31 = arith.constant 25000 : i32
      %add3A_32 = vector.broadcast %add3A_31 : i32 to vector<16xi32>
      %add3A_33 = arith.addi %add3A_32, %iota3A : vector<16xi32>
      %add3A_34 = arith.constant 0 : i32
      %add3A_35 = arith.addi %scan3A_20, %add3A_34 : i32
      %swap3A_36 = arith.index_cast %add3A_35 : i32 to index
      %swap3A_37 = tpu.vector_load %arg8[%swap3A_36] {strides = array<i32>} : memref<2816xi32, #tpu.memory_space<vmem>>, vector<16xi32>,
      tpu.vector_store %arg8[%swap3A_36], %add3A_33 {strides = array<i32>} : memref<2816xi32, #tpu.memory_space<vmem>>, vector<16xi32>,
      %mul3A_38 = arith.constant 51200 : i32
      %mul3A_39 = arith.muli %arg1, %mul3A_38 : i32
      %add3A_40 = arith.constant 16 : i32
      %add3A_41 = arith.addi %mul3A_39, %add3A_40 : i32
      %add3A_42 = vector.broadcast %add3A_41 : i32 to vector<16xi32>
      %add3A_43 = arith.addi %add3A_42, %iota3A : vector<16xi32>
      %add3A_44 = arith.constant 16 : i32
      %add3A_45 = arith.addi %scan3A_20, %add3A_44 : i32
      %swap3A_46 = arith.index_cast %add3A_45 : i32 to index
      %swap3A_47 = tpu.vector_load %arg7[%swap3A_46] {strides = array<i32>} : memref<2816xi32, #tpu.memory_space<vmem>>, vector<16xi32>,
      tpu.vector_store %arg7[%swap3A_46], %add3A_43 {strides = array<i32>} : memref<2816xi32, #tpu.memory_space<vmem>>, vector<16xi32>,
      %add3A_48 = arith.constant 25000 : i32
      %add3A_49 = vector.broadcast %add3A_48 : i32 to vector<16xi32>
      %add3A_50 = arith.addi %add3A_49, %iota3A : vector<16xi32>
      %add3A_51 = arith.constant 16 : i32
      %add3A_52 = arith.addi %scan3A_20, %add3A_51 : i32
      %swap3A_53 = arith.index_cast %add3A_52 : i32 to index
      %swap3A_54 = tpu.vector_load %arg8[%swap3A_53] {strides = array<i32>} : memref<2816xi32, #tpu.memory_space<vmem>>, vector<16xi32>,
      tpu.vector_store %arg8[%swap3A_53], %add3A_50 {strides = array<i32>} : memref<2816xi32, #tpu.memory_space<vmem>>, vector<16xi32>,
      %mul3A_55 = arith.constant 51200 : i32
      %mul3A_56 = arith.muli %arg1, %mul3A_55 : i32
      %add3A_57 = arith.constant 32 : i32
      %add3A_58 = arith.addi %mul3A_56, %add3A_57 : i32
      %add3A_59 = vector.broadcast %add3A_58 : i32 to vector<16xi32>
      %add3A_60 = arith.addi %add3A_59, %iota3A : vector<16xi32>
      %add3A_61 = arith.constant 32 : i32
      %add3A_62 = arith.addi %scan3A_20, %add3A_61 : i32
      %swap3A_63 = arith.index_cast %add3A_62 : i32 to index
      %swap3A_64 = tpu.vector_load %arg7[%swap3A_63] {strides = array<i32>} : memref<2816xi32, #tpu.memory_space<vmem>>, vector<16xi32>,
      tpu.vector_store %arg7[%swap3A_63], %add3A_60 {strides = array<i32>} : memref<2816xi32, #tpu.memory_space<vmem>>, vector<16xi32>,
      %add3A_65 = arith.constant 25000 : i32
      %add3A_66 = vector.broadcast %add3A_65 : i32 to vector<16xi32>
      %add3A_67 = arith.addi %add3A_66, %iota3A : vector<16xi32>
      %add3A_68 = arith.constant 32 : i32
      %add3A_69 = arith.addi %scan3A_20, %add3A_68 : i32
      %swap3A_70 = arith.index_cast %add3A_69 : i32 to index
      %swap3A_71 = tpu.vector_load %arg8[%swap3A_70] {strides = array<i32>} : memref<2816xi32, #tpu.memory_space<vmem>>, vector<16xi32>,
      tpu.vector_store %arg8[%swap3A_70], %add3A_67 {strides = array<i32>} : memref<2816xi32, #tpu.memory_space<vmem>>, vector<16xi32>,
      %mul3A_72 = arith.constant 51200 : i32
      %mul3A_73 = arith.muli %arg1, %mul3A_72 : i32
      %add3A_74 = arith.constant 48 : i32
      %add3A_75 = arith.addi %mul3A_73, %add3A_74 : i32
      %add3A_76 = vector.broadcast %add3A_75 : i32 to vector<16xi32>
      %add3A_77 = arith.addi %add3A_76, %iota3A : vector<16xi32>
      %add3A_78 = arith.constant 48 : i32
      %add3A_79 = arith.addi %scan3A_20, %add3A_78 : i32
      %swap3A_80 = arith.index_cast %add3A_79 : i32 to index
      %swap3A_81 = tpu.vector_load %arg7[%swap3A_80] {strides = array<i32>} : memref<2816xi32, #tpu.memory_space<vmem>>, vector<16xi32>,
      tpu.vector_store %arg7[%swap3A_80], %add3A_77 {strides = array<i32>} : memref<2816xi32, #tpu.memory_space<vmem>>, vector<16xi32>,
      %add3A_82 = arith.constant 25000 : i32
      %add3A_83 = vector.broadcast %add3A_82 : i32 to vector<16xi32>
      %add3A_84 = arith.addi %add3A_83, %iota3A : vector<16xi32>
      %add3A_85 = arith.constant 48 : i32
      %add3A_86 = arith.addi %scan3A_20, %add3A_85 : i32
      %swap3A_87 = arith.index_cast %add3A_86 : i32 to index
      %swap3A_88 = tpu.vector_load %arg8[%swap3A_87] {strides = array<i32>} : memref<2816xi32, #tpu.memory_space<vmem>>, vector<16xi32>,
      tpu.vector_store %arg8[%swap3A_87], %add3A_84 {strides = array<i32>} : memref<2816xi32, #tpu.memory_space<vmem>>, vector<16xi32>,
      %mul3A_89 = arith.constant 51200 : i32
      %mul3A_90 = arith.muli %arg1, %mul3A_89 : i32
      %add3A_91 = arith.constant 64 : i32
      %add3A_92 = arith.addi %mul3A_90, %add3A_91 : i32
      %add3A_93 = vector.broadcast %add3A_92 : i32 to vector<16xi32>
      %add3A_94 = arith.addi %add3A_93, %iota3A : vector<16xi32>
      %add3A_95 = arith.constant 64 : i32
      %add3A_96 = arith.addi %scan3A_20, %add3A_95 : i32
      %swap3A_97 = arith.index_cast %add3A_96 : i32 to index
      %swap3A_98 = tpu.vector_load %arg7[%swap3A_97] {strides = array<i32>} : memref<2816xi32, #tpu.memory_space<vmem>>, vector<16xi32>,
      tpu.vector_store %arg7[%swap3A_97], %add3A_94 {strides = array<i32>} : memref<2816xi32, #tpu.memory_space<vmem>>, vector<16xi32>,
      %add3A_99 = arith.constant 25000 : i32
      %add3A_100 = vector.broadcast %add3A_99 : i32 to vector<16xi32>
      %add3A_101 = arith.addi %add3A_100, %iota3A : vector<16xi32>
      %add3A_102 = arith.constant 64 : i32
      %add3A_103 = arith.addi %scan3A_20, %add3A_102 : i32
      %swap3A_104 = arith.index_cast %add3A_103 : i32 to index
      %swap3A_105 = tpu.vector_load %arg8[%swap3A_104] {strides = array<i32>} : memref<2816xi32, #tpu.memory_space<vmem>>, vector<16xi32>,
      tpu.vector_store %arg8[%swap3A_104], %add3A_101 {strides = array<i32>} : memref<2816xi32, #tpu.memory_space<vmem>>, vector<16xi32>,
      %mul3A_106 = arith.constant 51200 : i32
      %mul3A_107 = arith.muli %arg1, %mul3A_106 : i32
      %add3A_108 = arith.constant 80 : i32
      %add3A_109 = arith.addi %mul3A_107, %add3A_108 : i32
      %add3A_110 = vector.broadcast %add3A_109 : i32 to vector<16xi32>
      %add3A_111 = arith.addi %add3A_110, %iota3A : vector<16xi32>
      %add3A_112 = arith.constant 80 : i32
      %add3A_113 = arith.addi %scan3A_20, %add3A_112 : i32
      %swap3A_114 = arith.index_cast %add3A_113 : i32 to index
      %swap3A_115 = tpu.vector_load %arg7[%swap3A_114] {strides = array<i32>} : memref<2816xi32, #tpu.memory_space<vmem>>, vector<16xi32>,
      tpu.vector_store %arg7[%swap3A_114], %add3A_111 {strides = array<i32>} : memref<2816xi32, #tpu.memory_space<vmem>>, vector<16xi32>,
      %add3A_116 = arith.constant 25000 : i32
      %add3A_117 = vector.broadcast %add3A_116 : i32 to vector<16xi32>
      %add3A_118 = arith.addi %add3A_117, %iota3A : vector<16xi32>
      %add3A_119 = arith.constant 80 : i32
      %add3A_120 = arith.addi %scan3A_20, %add3A_119 : i32
      %swap3A_121 = arith.index_cast %add3A_120 : i32 to index
      %swap3A_122 = tpu.vector_load %arg8[%swap3A_121] {strides = array<i32>} : memref<2816xi32, #tpu.memory_space<vmem>>, vector<16xi32>,
      tpu.vector_store %arg8[%swap3A_121], %add3A_118 {strides = array<i32>} : memref<2816xi32, #tpu.memory_space<vmem>>, vector<16xi32>,
      %mul3A_123 = arith.constant 51200 : i32
      %mul3A_124 = arith.muli %arg1, %mul3A_123 : i32
      %add3A_125 = arith.constant 96 : i32
      %add3A_126 = arith.addi %mul3A_124, %add3A_125 : i32
      %add3A_127 = vector.broadcast %add3A_126 : i32 to vector<16xi32>
      %add3A_128 = arith.addi %add3A_127, %iota3A : vector<16xi32>
      %add3A_129 = arith.constant 96 : i32
      %add3A_130 = arith.addi %scan3A_20, %add3A_129 : i32
      %swap3A_131 = arith.index_cast %add3A_130 : i32 to index
      %swap3A_132 = tpu.vector_load %arg7[%swap3A_131] {strides = array<i32>} : memref<2816xi32, #tpu.memory_space<vmem>>, vector<16xi32>,
      tpu.vector_store %arg7[%swap3A_131], %add3A_128 {strides = array<i32>} : memref<2816xi32, #tpu.memory_space<vmem>>, vector<16xi32>,
      %add3A_133 = arith.constant 25000 : i32
      %add3A_134 = vector.broadcast %add3A_133 : i32 to vector<16xi32>
      %add3A_135 = arith.addi %add3A_134, %iota3A : vector<16xi32>
      %add3A_136 = arith.constant 96 : i32
      %add3A_137 = arith.addi %scan3A_20, %add3A_136 : i32
      %swap3A_138 = arith.index_cast %add3A_137 : i32 to index
      %swap3A_139 = tpu.vector_load %arg8[%swap3A_138] {strides = array<i32>} : memref<2816xi32, #tpu.memory_space<vmem>>, vector<16xi32>,
      tpu.vector_store %arg8[%swap3A_138], %add3A_135 {strides = array<i32>} : memref<2816xi32, #tpu.memory_space<vmem>>, vector<16xi32>,
      %mul3A_140 = arith.constant 51200 : i32
      %mul3A_141 = arith.muli %arg1, %mul3A_140 : i32
      %add3A_142 = arith.constant 112 : i32
      %add3A_143 = arith.addi %mul3A_141, %add3A_142 : i32
      %add3A_144 = vector.broadcast %add3A_143 : i32 to vector<16xi32>
      %add3A_145 = arith.addi %add3A_144, %iota3A : vector<16xi32>
      %add3A_146 = arith.constant 112 : i32
      %add3A_147 = arith.addi %scan3A_20, %add3A_146 : i32
      %swap3A_148 = arith.index_cast %add3A_147 : i32 to index
      %swap3A_149 = tpu.vector_load %arg7[%swap3A_148] {strides = array<i32>} : memref<2816xi32, #tpu.memory_space<vmem>>, vector<16xi32>,
      tpu.vector_store %arg7[%swap3A_148], %add3A_145 {strides = array<i32>} : memref<2816xi32, #tpu.memory_space<vmem>>, vector<16xi32>,
      %add3A_150 = arith.constant 25000 : i32
      %add3A_151 = vector.broadcast %add3A_150 : i32 to vector<16xi32>
      %add3A_152 = arith.addi %add3A_151, %iota3A : vector<16xi32>
      %add3A_153 = arith.constant 112 : i32
      %add3A_154 = arith.addi %scan3A_20, %add3A_153 : i32
      %swap3A_155 = arith.index_cast %add3A_154 : i32 to index
      %swap3A_156 = tpu.vector_load %arg8[%swap3A_155] {strides = array<i32>} : memref<2816xi32, #tpu.memory_space<vmem>>, vector<16xi32>,
      tpu.vector_store %arg8[%swap3A_155], %add3A_152 {strides = array<i32>} : memref<2816xi32, #tpu.memory_space<vmem>>, vector<16xi32>,
      %add3A_157 = arith.constant 128 : i32
      %add3A_158 = arith.addi %scan3A_20, %add3A_157 : i32
      %sub3A = arith.constant 1 : i32
      %sub3A_159 = arith.subi %add3A_158, %sub3A : i32
      %jit3A = arith.constant 128 : i32
      %div3A = arith.divsi %sub3A_159, %jit3A : i32
      %sign3A = arith.constant 0 : i32
      %sign3A_160 = arith.cmpi sgt, %sub3A_159, %sign3A : i32
      %sign3A_161 = arith.extui %sign3A_160 : i1 to i32
      %sign3A_162 = arith.constant 0 : i32
      %sign3A_163 = arith.cmpi slt, %sub3A_159, %sign3A_162 : i32
      %sign3A_164 = arith.extui %sign3A_163 : i1 to i32
      %sign3A_165 = arith.subi %sign3A_161, %sign3A_164 : i32
      %sign3A_166 = arith.constant 0 : i32
      %sign3A_167 = arith.cmpi sgt, %jit3A, %sign3A_166 : i32
      %sign3A_168 = arith.extui %sign3A_167 : i1 to i32
      %sign3A_169 = arith.constant 0 : i32
      %sign3A_170 = arith.cmpi slt, %jit3A, %sign3A_169 : i32
      %sign3A_171 = arith.extui %sign3A_170 : i1 to i32
      %sign3A_172 = arith.subi %sign3A_168, %sign3A_171 : i32
      %ne3A = arith.cmpi ne, %sign3A_165, %sign3A_172 : i32
      %rem3A = arith.remsi %sub3A_159, %jit3A : i32
      %ne3A_173 = arith.constant 0 : i32
      %ne3A_174 = arith.cmpi ne, %rem3A, %ne3A_173 : i32
      %and3A = arith.andi %ne3A, %ne3A_174 : i1
      %sub3A_175 = arith.constant 1 : i32
      %sub3A_176 = arith.subi %div3A, %sub3A_175 : i32
      %select_n3A = arith.select %and3A, %sub3A_176, %div3A : i32
      %while3A = arith.constant 0 : i32
      %while3A_177 = arith.constant 0 : i32
      %while3A_178 = arith.subi %select_n3A, %while3A : i32
      %while3A_179 = arith.addi %while3A, %while3A_178 : i32
      %while3A_180 = arith.constant 1 : i32
      %while3A_181 = arith.divsi %while3A_178, %while3A_180 : i32
      %while3A_182 = arith.muli %while3A_181, %while3A_180 : i32
      %while3A_183 = arith.addi %while3A, %while3A_182 : i32
      %while3A_184 = arith.constant 1 : i32
      %while3A_185 = scf.for %while3A_191 = %while3A to %while3A_183 step %while3A_184 iter_args(%while3A_192 = %while3A_177) -> (i32)  : i32 {
        %mul3A_193 = arith.constant 8 : i32
        %mul3A_194 = arith.muli %while3A_191, %mul3A_193 : i32
        %add3A_195 = arith.constant 0 : i32
        %add3A_196 = arith.addi %mul3A_194, %add3A_195 : i32
        %mul3A_197 = arith.constant 16 : i32
        %mul3A_198 = arith.muli %add3A_196, %mul3A_197 : i32
        %get3A = arith.index_cast %mul3A_198 : i32 to index
        %get3A_199 = tpu.vector_load %arg7[%get3A] {strides = array<i32>} : memref<2816xi32, #tpu.memory_space<vmem>>, vector<16xi32>,
        %dma_start3A = arith.constant 0 : i32
        %dma_start3A_200 = arith.constant 0 : i32
        %dma_start3A_201 = arith.constant 0 : i32
        %dma_start3A_202 = tpu.memref_slice %arg9[%dma_start3A, %dma_start3A_200, %dma_start3A_201] : memref<8x16x32xf32, #tpu.memory_space<vmem>> -> memref<1x16x32xf32, #tpu.memory_space<vmem>>
        %dma_start3A_203 = tpu.memref_squeeze %dma_start3A_202 : memref<1x16x32xf32, #tpu.memory_space<vmem>> -> memref<16x32xf32, #tpu.memory_space<vmem>>
        %dma_start3A_204 = arith.constant 0 : i32
        %dma_start3A_205 = arith.constant 0 : i32
        %dma_start3A_206 = tpu.memref_slice %arg4[%dma_start3A_204, %dma_start3A_205] : memref<819200x32xf32, #tpu.memory_space<hbm>> -> memref<819200x32xf32, #tpu.memory_space<hbm>>
        tpu.enqueue_indirect_dma source(%dma_start3A_206 : memref<819200x32xf32, #tpu.memory_space<hbm>>) target(%dma_start3A_203 : memref<16x32xf32, #tpu.memory_space<vmem>>) offsets(%get3A_199 : vector<16xi32>) semaphore(%arg11 : memref<!tpu.dma_semaphore, #tpu.memory_space<semaphore_mem>>)
        %add3A_207 = arith.constant 1 : i32
        %add3A_208 = arith.addi %mul3A_194, %add3A_207 : i32
        %mul3A_209 = arith.constant 16 : i32
        %mul3A_210 = arith.muli %add3A_208, %mul3A_209 : i32
        %get3A_211 = arith.index_cast %mul3A_210 : i32 to index
        %get3A_212 = tpu.vector_load %arg7[%get3A_211] {strides = array<i32>} : memref<2816xi32, #tpu.memory_space<vmem>>, vector<16xi32>,
        %dma_start3A_213 = arith.constant 1 : i32
        %dma_start3A_214 = arith.constant 0 : i32
        %dma_start3A_215 = arith.constant 0 : i32
        %dma_start3A_216 = tpu.memref_slice %arg9[%dma_start3A_213, %dma_start3A_214, %dma_start3A_215] : memref<8x16x32xf32, #tpu.memory_space<vmem>> -> memref<1x16x32xf32, #tpu.memory_space<vmem>>
        %dma_start3A_217 = tpu.memref_squeeze %dma_start3A_216 : memref<1x16x32xf32, #tpu.memory_space<vmem>> -> memref<16x32xf32, #tpu.memory_space<vmem>>
        %dma_start3A_218 = arith.constant 0 : i32
        %dma_start3A_219 = arith.constant 0 : i32
        %dma_start3A_220 = tpu.memref_slice %arg4[%dma_start3A_218, %dma_start3A_219] : memref<819200x32xf32, #tpu.memory_space<hbm>> -> memref<819200x32xf32, #tpu.memory_space<hbm>>
        tpu.enqueue_indirect_dma source(%dma_start3A_220 : memref<819200x32xf32, #tpu.memory_space<hbm>>) target(%dma_start3A_217 : memref<16x32xf32, #tpu.memory_space<vmem>>) offsets(%get3A_212 : vector<16xi32>) semaphore(%arg11 : memref<!tpu.dma_semaphore, #tpu.memory_space<semaphore_mem>>)
        %add3A_221 = arith.constant 2 : i32
        %add3A_222 = arith.addi %mul3A_194, %add3A_221 : i32
        %mul3A_223 = arith.constant 16 : i32
        %mul3A_224 = arith.muli %add3A_222, %mul3A_223 : i32
        %get3A_225 = arith.index_cast %mul3A_224 : i32 to index
        %get3A_226 = tpu.vector_load %arg7[%get3A_225] {strides = array<i32>} : memref<2816xi32, #tpu.memory_space<vmem>>, vector<16xi32>,
        %dma_start3A_227 = arith.constant 2 : i32
        %dma_start3A_228 = arith.constant 0 : i32
        %dma_start3A_229 = arith.constant 0 : i32
        %dma_start3A_230 = tpu.memref_slice %arg9[%dma_start3A_227, %dma_start3A_228, %dma_start3A_229] : memref<8x16x32xf32, #tpu.memory_space<vmem>> -> memref<1x16x32xf32, #tpu.memory_space<vmem>>
        %dma_start3A_231 = tpu.memref_squeeze %dma_start3A_230 : memref<1x16x32xf32, #tpu.memory_space<vmem>> -> memref<16x32xf32, #tpu.memory_space<vmem>>
        %dma_start3A_232 = arith.constant 0 : i32
        %dma_start3A_233 = arith.constant 0 : i32
        %dma_start3A_234 = tpu.memref_slice %arg4[%dma_start3A_232, %dma_start3A_233] : memref<819200x32xf32, #tpu.memory_space<hbm>> -> memref<819200x32xf32, #tpu.memory_space<hbm>>
        tpu.enqueue_indirect_dma source(%dma_start3A_234 : memref<819200x32xf32, #tpu.memory_space<hbm>>) target(%dma_start3A_231 : memref<16x32xf32, #tpu.memory_space<vmem>>) offsets(%get3A_226 : vector<16xi32>) semaphore(%arg11 : memref<!tpu.dma_semaphore, #tpu.memory_space<semaphore_mem>>)
        %add3A_235 = arith.constant 3 : i32
        %add3A_236 = arith.addi %mul3A_194, %add3A_235 : i32
        %mul3A_237 = arith.constant 16 : i32
        %mul3A_238 = arith.muli %add3A_236, %mul3A_237 : i32
        %get3A_239 = arith.index_cast %mul3A_238 : i32 to index
        %get3A_240 = tpu.vector_load %arg7[%get3A_239] {strides = array<i32>} : memref<2816xi32, #tpu.memory_space<vmem>>, vector<16xi32>,
        %dma_start3A_241 = arith.constant 3 : i32
        %dma_start3A_242 = arith.constant 0 : i32
        %dma_start3A_243 = arith.constant 0 : i32
        %dma_start3A_244 = tpu.memref_slice %arg9[%dma_start3A_241, %dma_start3A_242, %dma_start3A_243] : memref<8x16x32xf32, #tpu.memory_space<vmem>> -> memref<1x16x32xf32, #tpu.memory_space<vmem>>
        %dma_start3A_245 = tpu.memref_squeeze %dma_start3A_244 : memref<1x16x32xf32, #tpu.memory_space<vmem>> -> memref<16x32xf32, #tpu.memory_space<vmem>>
        %dma_start3A_246 = arith.constant 0 : i32
        %dma_start3A_247 = arith.constant 0 : i32
        %dma_start3A_248 = tpu.memref_slice %arg4[%dma_start3A_246, %dma_start3A_247] : memref<819200x32xf32, #tpu.memory_space<hbm>> -> memref<819200x32xf32, #tpu.memory_space<hbm>>
        tpu.enqueue_indirect_dma source(%dma_start3A_248 : memref<819200x32xf32, #tpu.memory_space<hbm>>) target(%dma_start3A_245 : memref<16x32xf32, #tpu.memory_space<vmem>>) offsets(%get3A_240 : vector<16xi32>) semaphore(%arg11 : memref<!tpu.dma_semaphore, #tpu.memory_space<semaphore_mem>>)
        %add3A_249 = arith.constant 4 : i32
        %add3A_250 = arith.addi %mul3A_194, %add3A_249 : i32
        %mul3A_251 = arith.constant 16 : i32
        %mul3A_252 = arith.muli %add3A_250, %mul3A_251 : i32
        %get3A_253 = arith.index_cast %mul3A_252 : i32 to index
        %get3A_254 = tpu.vector_load %arg7[%get3A_253] {strides = array<i32>} : memref<2816xi32, #tpu.memory_space<vmem>>, vector<16xi32>,
        %dma_start3A_255 = arith.constant 4 : i32
        %dma_start3A_256 = arith.constant 0 : i32
        %dma_start3A_257 = arith.constant 0 : i32
        %dma_start3A_258 = tpu.memref_slice %arg9[%dma_start3A_255, %dma_start3A_256, %dma_start3A_257] : memref<8x16x32xf32, #tpu.memory_space<vmem>> -> memref<1x16x32xf32, #tpu.memory_space<vmem>>
        %dma_start3A_259 = tpu.memref_squeeze %dma_start3A_258 : memref<1x16x32xf32, #tpu.memory_space<vmem>> -> memref<16x32xf32, #tpu.memory_space<vmem>>
        %dma_start3A_260 = arith.constant 0 : i32
        %dma_start3A_261 = arith.constant 0 : i32
        %dma_start3A_262 = tpu.memref_slice %arg4[%dma_start3A_260, %dma_start3A_261] : memref<819200x32xf32, #tpu.memory_space<hbm>> -> memref<819200x32xf32, #tpu.memory_space<hbm>>
        tpu.enqueue_indirect_dma source(%dma_start3A_262 : memref<819200x32xf32, #tpu.memory_space<hbm>>) target(%dma_start3A_259 : memref<16x32xf32, #tpu.memory_space<vmem>>) offsets(%get3A_254 : vector<16xi32>) semaphore(%arg11 : memref<!tpu.dma_semaphore, #tpu.memory_space<semaphore_mem>>)
        %add3A_263 = arith.constant 5 : i32
        %add3A_264 = arith.addi %mul3A_194, %add3A_263 : i32
        %mul3A_265 = arith.constant 16 : i32
        %mul3A_266 = arith.muli %add3A_264, %mul3A_265 : i32
        %get3A_267 = arith.index_cast %mul3A_266 : i32 to index
        %get3A_268 = tpu.vector_load %arg7[%get3A_267] {strides = array<i32>} : memref<2816xi32, #tpu.memory_space<vmem>>, vector<16xi32>,
        %dma_start3A_269 = arith.constant 5 : i32
        %dma_start3A_270 = arith.constant 0 : i32
        %dma_start3A_271 = arith.constant 0 : i32
        %dma_start3A_272 = tpu.memref_slice %arg9[%dma_start3A_269, %dma_start3A_270, %dma_start3A_271] : memref<8x16x32xf32, #tpu.memory_space<vmem>> -> memref<1x16x32xf32, #tpu.memory_space<vmem>>
        %dma_start3A_273 = tpu.memref_squeeze %dma_start3A_272 : memref<1x16x32xf32, #tpu.memory_space<vmem>> -> memref<16x32xf32, #tpu.memory_space<vmem>>
        %dma_start3A_274 = arith.constant 0 : i32
        %dma_start3A_275 = arith.constant 0 : i32
        %dma_start3A_276 = tpu.memref_slice %arg4[%dma_start3A_274, %dma_start3A_275] : memref<819200x32xf32, #tpu.memory_space<hbm>> -> memref<819200x32xf32, #tpu.memory_space<hbm>>
        tpu.enqueue_indirect_dma source(%dma_start3A_276 : memref<819200x32xf32, #tpu.memory_space<hbm>>) target(%dma_start3A_273 : memref<16x32xf32, #tpu.memory_space<vmem>>) offsets(%get3A_268 : vector<16xi32>) semaphore(%arg11 : memref<!tpu.dma_semaphore, #tpu.memory_space<semaphore_mem>>)
        %add3A_277 = arith.constant 6 : i32
        %add3A_278 = arith.addi %mul3A_194, %add3A_277 : i32
        %mul3A_279 = arith.constant 16 : i32
        %mul3A_280 = arith.muli %add3A_278, %mul3A_279 : i32
        %get3A_281 = arith.index_cast %mul3A_280 : i32 to index
        %get3A_282 = tpu.vector_load %arg7[%get3A_281] {strides = array<i32>} : memref<2816xi32, #tpu.memory_space<vmem>>, vector<16xi32>,
        %dma_start3A_283 = arith.constant 6 : i32
        %dma_start3A_284 = arith.constant 0 : i32
        %dma_start3A_285 = arith.constant 0 : i32
        %dma_start3A_286 = tpu.memref_slice %arg9[%dma_start3A_283, %dma_start3A_284, %dma_start3A_285] : memref<8x16x32xf32, #tpu.memory_space<vmem>> -> memref<1x16x32xf32, #tpu.memory_space<vmem>>
        %dma_start3A_287 = tpu.memref_squeeze %dma_start3A_286 : memref<1x16x32xf32, #tpu.memory_space<vmem>> -> memref<16x32xf32, #tpu.memory_space<vmem>>
        %dma_start3A_288 = arith.constant 0 : i32
        %dma_start3A_289 = arith.constant 0 : i32
        %dma_start3A_290 = tpu.memref_slice %arg4[%dma_start3A_288, %dma_start3A_289] : memref<819200x32xf32, #tpu.memory_space<hbm>> -> memref<819200x32xf32, #tpu.memory_space<hbm>>
        tpu.enqueue_indirect_dma source(%dma_start3A_290 : memref<819200x32xf32, #tpu.memory_space<hbm>>) target(%dma_start3A_287 : memref<16x32xf32, #tpu.memory_space<vmem>>) offsets(%get3A_282 : vector<16xi32>) semaphore(%arg11 : memref<!tpu.dma_semaphore, #tpu.memory_space<semaphore_mem>>)
        %add3A_291 = arith.constant 7 : i32
        %add3A_292 = arith.addi %mul3A_194, %add3A_291 : i32
        %mul3A_293 = arith.constant 16 : i32
        %mul3A_294 = arith.muli %add3A_292, %mul3A_293 : i32
        %get3A_295 = arith.index_cast %mul3A_294 : i32 to index
        %get3A_296 = tpu.vector_load %arg7[%get3A_295] {strides = array<i32>} : memref<2816xi32, #tpu.memory_space<vmem>>, vector<16xi32>,
        %dma_start3A_297 = arith.constant 7 : i32
        %dma_start3A_298 = arith.constant 0 : i32
        %dma_start3A_299 = arith.constant 0 : i32
        %dma_start3A_300 = tpu.memref_slice %arg9[%dma_start3A_297, %dma_start3A_298, %dma_start3A_299] : memref<8x16x32xf32, #tpu.memory_space<vmem>> -> memref<1x16x32xf32, #tpu.memory_space<vmem>>
        %dma_start3A_301 = tpu.memref_squeeze %dma_start3A_300 : memref<1x16x32xf32, #tpu.memory_space<vmem>> -> memref<16x32xf32, #tpu.memory_space<vmem>>
        %dma_start3A_302 = arith.constant 0 : i32
        %dma_start3A_303 = arith.constant 0 : i32
        %dma_start3A_304 = tpu.memref_slice %arg4[%dma_start3A_302, %dma_start3A_303] : memref<819200x32xf32, #tpu.memory_space<hbm>> -> memref<819200x32xf32, #tpu.memory_space<hbm>>
        tpu.enqueue_indirect_dma source(%dma_start3A_304 : memref<819200x32xf32, #tpu.memory_space<hbm>>) target(%dma_start3A_301 : memref<16x32xf32, #tpu.memory_space<vmem>>) offsets(%get3A_296 : vector<16xi32>) semaphore(%arg11 : memref<!tpu.dma_semaphore, #tpu.memory_space<semaphore_mem>>)
        %dma_wait3A = arith.constant 0 : i32
        %dma_wait3A_305 = arith.constant 0 : i32
        %dma_wait3A_306 = arith.constant 0 : i32
        %dma_wait3A_307 = tpu.memref_slice %arg9[%dma_wait3A, %dma_wait3A_305, %dma_wait3A_306] : memref<8x16x32xf32, #tpu.memory_space<vmem>> -> memref<1x16x32xf32, #tpu.memory_space<vmem>>
        %dma_wait3A_308 = tpu.memref_squeeze %dma_wait3A_307 : memref<1x16x32xf32, #tpu.memory_space<vmem>> -> memref<16x32xf32, #tpu.memory_space<vmem>>
        %dma_wait3A_309 = arith.constant 0 : i32
        %dma_wait3A_310 = arith.constant 0 : i32
        %dma_wait3A_311 = tpu.memref_slice %arg4[%dma_wait3A_309, %dma_wait3A_310] : memref<819200x32xf32, #tpu.memory_space<hbm>> -> memref<819200x32xf32, #tpu.memory_space<hbm>>
        tpu.wait_indirect_dma semaphore(%arg11 : memref<!tpu.dma_semaphore, #tpu.memory_space<semaphore_mem>>) src(%dma_wait3A_311 : memref<819200x32xf32, #tpu.memory_space<hbm>>) dst(%dma_wait3A_308 : memref<16x32xf32, #tpu.memory_space<vmem>>)
        %dma_wait3A_312 = arith.constant 1 : i32
        %dma_wait3A_313 = arith.constant 0 : i32
        %dma_wait3A_314 = arith.constant 0 : i32
        %dma_wait3A_315 = tpu.memref_slice %arg9[%dma_wait3A_312, %dma_wait3A_313, %dma_wait3A_314] : memref<8x16x32xf32, #tpu.memory_space<vmem>> -> memref<1x16x32xf32, #tpu.memory_space<vmem>>
        %dma_wait3A_316 = tpu.memref_squeeze %dma_wait3A_315 : memref<1x16x32xf32, #tpu.memory_space<vmem>> -> memref<16x32xf32, #tpu.memory_space<vmem>>
        %dma_wait3A_317 = arith.constant 0 : i32
        %dma_wait3A_318 = arith.constant 0 : i32
        %dma_wait3A_319 = tpu.memref_slice %arg4[%dma_wait3A_317, %dma_wait3A_318] : memref<819200x32xf32, #tpu.memory_space<hbm>> -> memref<819200x32xf32, #tpu.memory_space<hbm>>
        tpu.wait_indirect_dma semaphore(%arg11 : memref<!tpu.dma_semaphore, #tpu.memory_space<semaphore_mem>>) src(%dma_wait3A_319 : memref<819200x32xf32, #tpu.memory_space<hbm>>) dst(%dma_wait3A_316 : memref<16x32xf32, #tpu.memory_space<vmem>>)
        %dma_wait3A_320 = arith.constant 2 : i32
        %dma_wait3A_321 = arith.constant 0 : i32
        %dma_wait3A_322 = arith.constant 0 : i32
        %dma_wait3A_323 = tpu.memref_slice %arg9[%dma_wait3A_320, %dma_wait3A_321, %dma_wait3A_322] : memref<8x16x32xf32, #tpu.memory_space<vmem>> -> memref<1x16x32xf32, #tpu.memory_space<vmem>>
        %dma_wait3A_324 = tpu.memref_squeeze %dma_wait3A_323 : memref<1x16x32xf32, #tpu.memory_space<vmem>> -> memref<16x32xf32, #tpu.memory_space<vmem>>
        %dma_wait3A_325 = arith.constant 0 : i32
        %dma_wait3A_326 = arith.constant 0 : i32
        %dma_wait3A_327 = tpu.memref_slice %arg4[%dma_wait3A_325, %dma_wait3A_326] : memref<819200x32xf32, #tpu.memory_space<hbm>> -> memref<819200x32xf32, #tpu.memory_space<hbm>>
        tpu.wait_indirect_dma semaphore(%arg11 : memref<!tpu.dma_semaphore, #tpu.memory_space<semaphore_mem>>) src(%dma_wait3A_327 : memref<819200x32xf32, #tpu.memory_space<hbm>>) dst(%dma_wait3A_324 : memref<16x32xf32, #tpu.memory_space<vmem>>)
        %dma_wait3A_328 = arith.constant 3 : i32
        %dma_wait3A_329 = arith.constant 0 : i32
        %dma_wait3A_330 = arith.constant 0 : i32
        %dma_wait3A_331 = tpu.memref_slice %arg9[%dma_wait3A_328, %dma_wait3A_329, %dma_wait3A_330] : memref<8x16x32xf32, #tpu.memory_space<vmem>> -> memref<1x16x32xf32, #tpu.memory_space<vmem>>
        %dma_wait3A_332 = tpu.memref_squeeze %dma_wait3A_331 : memref<1x16x32xf32, #tpu.memory_space<vmem>> -> memref<16x32xf32, #tpu.memory_space<vmem>>
        %dma_wait3A_333 = arith.constant 0 : i32
        %dma_wait3A_334 = arith.constant 0 : i32
        %dma_wait3A_335 = tpu.memref_slice %arg4[%dma_wait3A_333, %dma_wait3A_334] : memref<819200x32xf32, #tpu.memory_space<hbm>> -> memref<819200x32xf32, #tpu.memory_space<hbm>>
        tpu.wait_indirect_dma semaphore(%arg11 : memref<!tpu.dma_semaphore, #tpu.memory_space<semaphore_mem>>) src(%dma_wait3A_335 : memref<819200x32xf32, #tpu.memory_space<hbm>>) dst(%dma_wait3A_332 : memref<16x32xf32, #tpu.memory_space<vmem>>)
        %dma_wait3A_336 = arith.constant 4 : i32
        %dma_wait3A_337 = arith.constant 0 : i32
        %dma_wait3A_338 = arith.constant 0 : i32
        %dma_wait3A_339 = tpu.memref_slice %arg9[%dma_wait3A_336, %dma_wait3A_337, %dma_wait3A_338] : memref<8x16x32xf32, #tpu.memory_space<vmem>> -> memref<1x16x32xf32, #tpu.memory_space<vmem>>
        %dma_wait3A_340 = tpu.memref_squeeze %dma_wait3A_339 : memref<1x16x32xf32, #tpu.memory_space<vmem>> -> memref<16x32xf32, #tpu.memory_space<vmem>>
        %dma_wait3A_341 = arith.constant 0 : i32
        %dma_wait3A_342 = arith.constant 0 : i32
        %dma_wait3A_343 = tpu.memref_slice %arg4[%dma_wait3A_341, %dma_wait3A_342] : memref<819200x32xf32, #tpu.memory_space<hbm>> -> memref<819200x32xf32, #tpu.memory_space<hbm>>
        tpu.wait_indirect_dma semaphore(%arg11 : memref<!tpu.dma_semaphore, #tpu.memory_space<semaphore_mem>>) src(%dma_wait3A_343 : memref<819200x32xf32, #tpu.memory_space<hbm>>) dst(%dma_wait3A_340 : memref<16x32xf32, #tpu.memory_space<vmem>>)
        %dma_wait3A_344 = arith.constant 5 : i32
        %dma_wait3A_345 = arith.constant 0 : i32
        %dma_wait3A_346 = arith.constant 0 : i32
        %dma_wait3A_347 = tpu.memref_slice %arg9[%dma_wait3A_344, %dma_wait3A_345, %dma_wait3A_346] : memref<8x16x32xf32, #tpu.memory_space<vmem>> -> memref<1x16x32xf32, #tpu.memory_space<vmem>>
        %dma_wait3A_348 = tpu.memref_squeeze %dma_wait3A_347 : memref<1x16x32xf32, #tpu.memory_space<vmem>> -> memref<16x32xf32, #tpu.memory_space<vmem>>
        %dma_wait3A_349 = arith.constant 0 : i32
        %dma_wait3A_350 = arith.constant 0 : i32
        %dma_wait3A_351 = tpu.memref_slice %arg4[%dma_wait3A_349, %dma_wait3A_350] : memref<819200x32xf32, #tpu.memory_space<hbm>> -> memref<819200x32xf32, #tpu.memory_space<hbm>>
        tpu.wait_indirect_dma semaphore(%arg11 : memref<!tpu.dma_semaphore, #tpu.memory_space<semaphore_mem>>) src(%dma_wait3A_351 : memref<819200x32xf32, #tpu.memory_space<hbm>>) dst(%dma_wait3A_348 : memref<16x32xf32, #tpu.memory_space<vmem>>)
        %dma_wait3A_352 = arith.constant 6 : i32
        %dma_wait3A_353 = arith.constant 0 : i32
        %dma_wait3A_354 = arith.constant 0 : i32
        %dma_wait3A_355 = tpu.memref_slice %arg9[%dma_wait3A_352, %dma_wait3A_353, %dma_wait3A_354] : memref<8x16x32xf32, #tpu.memory_space<vmem>> -> memref<1x16x32xf32, #tpu.memory_space<vmem>>
        %dma_wait3A_356 = tpu.memref_squeeze %dma_wait3A_355 : memref<1x16x32xf32, #tpu.memory_space<vmem>> -> memref<16x32xf32, #tpu.memory_space<vmem>>
        %dma_wait3A_357 = arith.constant 0 : i32
        %dma_wait3A_358 = arith.constant 0 : i32
        %dma_wait3A_359 = tpu.memref_slice %arg4[%dma_wait3A_357, %dma_wait3A_358] : memref<819200x32xf32, #tpu.memory_space<hbm>> -> memref<819200x32xf32, #tpu.memory_space<hbm>>
        tpu.wait_indirect_dma semaphore(%arg11 : memref<!tpu.dma_semaphore, #tpu.memory_space<semaphore_mem>>) src(%dma_wait3A_359 : memref<819200x32xf32, #tpu.memory_space<hbm>>) dst(%dma_wait3A_356 : memref<16x32xf32, #tpu.memory_space<vmem>>)
        %dma_wait3A_360 = arith.constant 7 : i32
        %dma_wait3A_361 = arith.constant 0 : i32
        %dma_wait3A_362 = arith.constant 0 : i32
        %dma_wait3A_363 = tpu.memref_slice %arg9[%dma_wait3A_360, %dma_wait3A_361, %dma_wait3A_362] : memref<8x16x32xf32, #tpu.memory_space<vmem>> -> memref<1x16x32xf32, #tpu.memory_space<vmem>>
        %dma_wait3A_364 = tpu.memref_squeeze %dma_wait3A_363 : memref<1x16x32xf32, #tpu.memory_space<vmem>> -> memref<16x32xf32, #tpu.memory_space<vmem>>
        %dma_wait3A_365 = arith.constant 0 : i32
        %dma_wait3A_366 = arith.constant 0 : i32
        %dma_wait3A_367 = tpu.memref_slice %arg4[%dma_wait3A_365, %dma_wait3A_366] : memref<819200x32xf32, #tpu.memory_space<hbm>> -> memref<819200x32xf32, #tpu.memory_space<hbm>>
        tpu.wait_indirect_dma semaphore(%arg11 : memref<!tpu.dma_semaphore, #tpu.memory_space<semaphore_mem>>) src(%dma_wait3A_367 : memref<819200x32xf32, #tpu.memory_space<hbm>>) dst(%dma_wait3A_364 : memref<16x32xf32, #tpu.memory_space<vmem>>)
        %add3A_368 = arith.constant 0 : i32
        %add3A_369 = arith.addi %mul3A_194, %add3A_368 : i32
        %mul3A_370 = arith.constant 16 : i32
        %mul3A_371 = arith.muli %add3A_369, %mul3A_370 : i32
        %get3A_372 = arith.index_cast %mul3A_371 : i32 to index
        %get3A_373 = tpu.vector_load %arg8[%get3A_372] {strides = array<i32>} : memref<2816xi32, #tpu.memory_space<vmem>>, vector<16xi32>,
        %dma_start3A_374 = arith.constant 0 : i32
        %dma_start3A_375 = arith.constant 0 : i32
        %dma_start3A_376 = arith.constant 0 : i32
        %dma_start3A_377 = tpu.memref_slice %arg9[%dma_start3A_374, %dma_start3A_375, %dma_start3A_376] : memref<8x16x32xf32, #tpu.memory_space<vmem>> -> memref<1x16x32xf32, #tpu.memory_space<vmem>>
        %dma_start3A_378 = tpu.memref_squeeze %dma_start3A_377 : memref<1x16x32xf32, #tpu.memory_space<vmem>> -> memref<16x32xf32, #tpu.memory_space<vmem>>
        %dma_start3A_379 = arith.constant 0 : i32
        %dma_start3A_380 = arith.constant 0 : i32
        %dma_start3A_381 = tpu.memref_slice %arg10[%dma_start3A_379, %dma_start3A_380] : memref<25016x32xf32, #tpu.memory_space<vmem_shared>> -> memref<25016x32xf32, #tpu.memory_space<vmem_shared>>
        tpu.enqueue_indirect_dma source(%dma_start3A_378 : memref<16x32xf32, #tpu.memory_space<vmem>>) target(%dma_start3A_381 : memref<25016x32xf32, #tpu.memory_space<vmem_shared>>) offsets(%get3A_373 : vector<16xi32>) semaphore(%arg12 : memref<!tpu.dma_semaphore, #tpu.memory_space<semaphore_mem>>) {add = true}
        %add3A_382 = arith.constant 1 : i32
        %add3A_383 = arith.addi %mul3A_194, %add3A_382 : i32
        %mul3A_384 = arith.constant 16 : i32
        %mul3A_385 = arith.muli %add3A_383, %mul3A_384 : i32
        %get3A_386 = arith.index_cast %mul3A_385 : i32 to index
        %get3A_387 = tpu.vector_load %arg8[%get3A_386] {strides = array<i32>} : memref<2816xi32, #tpu.memory_space<vmem>>, vector<16xi32>,
        %dma_start3A_388 = arith.constant 1 : i32
        %dma_start3A_389 = arith.constant 0 : i32
        %dma_start3A_390 = arith.constant 0 : i32
        %dma_start3A_391 = tpu.memref_slice %arg9[%dma_start3A_388, %dma_start3A_389, %dma_start3A_390] : memref<8x16x32xf32, #tpu.memory_space<vmem>> -> memref<1x16x32xf32, #tpu.memory_space<vmem>>
        %dma_start3A_392 = tpu.memref_squeeze %dma_start3A_391 : memref<1x16x32xf32, #tpu.memory_space<vmem>> -> memref<16x32xf32, #tpu.memory_space<vmem>>
        %dma_start3A_393 = arith.constant 0 : i32
        %dma_start3A_394 = arith.constant 0 : i32
        %dma_start3A_395 = tpu.memref_slice %arg10[%dma_start3A_393, %dma_start3A_394] : memref<25016x32xf32, #tpu.memory_space<vmem_shared>> -> memref<25016x32xf32, #tpu.memory_space<vmem_shared>>
        tpu.enqueue_indirect_dma source(%dma_start3A_392 : memref<16x32xf32, #tpu.memory_space<vmem>>) target(%dma_start3A_395 : memref<25016x32xf32, #tpu.memory_space<vmem_shared>>) offsets(%get3A_387 : vector<16xi32>) semaphore(%arg12 : memref<!tpu.dma_semaphore, #tpu.memory_space<semaphore_mem>>) {add = true}
        %add3A_396 = arith.constant 2 : i32
        %add3A_397 = arith.addi %mul3A_194, %add3A_396 : i32
        %mul3A_398 = arith.constant 16 : i32
        %mul3A_399 = arith.muli %add3A_397, %mul3A_398 : i32
        %get3A_400 = arith.index_cast %mul3A_399 : i32 to index
        %get3A_401 = tpu.vector_load %arg8[%get3A_400] {strides = array<i32>} : memref<2816xi32, #tpu.memory_space<vmem>>, vector<16xi32>,
        %dma_start3A_402 = arith.constant 2 : i32
        %dma_start3A_403 = arith.constant 0 : i32
        %dma_start3A_404 = arith.constant 0 : i32
        %dma_start3A_405 = tpu.memref_slice %arg9[%dma_start3A_402, %dma_start3A_403, %dma_start3A_404] : memref<8x16x32xf32, #tpu.memory_space<vmem>> -> memref<1x16x32xf32, #tpu.memory_space<vmem>>
        %dma_start3A_406 = tpu.memref_squeeze %dma_start3A_405 : memref<1x16x32xf32, #tpu.memory_space<vmem>> -> memref<16x32xf32, #tpu.memory_space<vmem>>
        %dma_start3A_407 = arith.constant 0 : i32
        %dma_start3A_408 = arith.constant 0 : i32
        %dma_start3A_409 = tpu.memref_slice %arg10[%dma_start3A_407, %dma_start3A_408] : memref<25016x32xf32, #tpu.memory_space<vmem_shared>> -> memref<25016x32xf32, #tpu.memory_space<vmem_shared>>
        tpu.enqueue_indirect_dma source(%dma_start3A_406 : memref<16x32xf32, #tpu.memory_space<vmem>>) target(%dma_start3A_409 : memref<25016x32xf32, #tpu.memory_space<vmem_shared>>) offsets(%get3A_401 : vector<16xi32>) semaphore(%arg12 : memref<!tpu.dma_semaphore, #tpu.memory_space<semaphore_mem>>) {add = true}
        %add3A_410 = arith.constant 3 : i32
        %add3A_411 = arith.addi %mul3A_194, %add3A_410 : i32
        %mul3A_412 = arith.constant 16 : i32
        %mul3A_413 = arith.muli %add3A_411, %mul3A_412 : i32
        %get3A_414 = arith.index_cast %mul3A_413 : i32 to index
        %get3A_415 = tpu.vector_load %arg8[%get3A_414] {strides = array<i32>} : memref<2816xi32, #tpu.memory_space<vmem>>, vector<16xi32>,
        %dma_start3A_416 = arith.constant 3 : i32
        %dma_start3A_417 = arith.constant 0 : i32
        %dma_start3A_418 = arith.constant 0 : i32
        %dma_start3A_419 = tpu.memref_slice %arg9[%dma_start3A_416, %dma_start3A_417, %dma_start3A_418] : memref<8x16x32xf32, #tpu.memory_space<vmem>> -> memref<1x16x32xf32, #tpu.memory_space<vmem>>
        %dma_start3A_420 = tpu.memref_squeeze %dma_start3A_419 : memref<1x16x32xf32, #tpu.memory_space<vmem>> -> memref<16x32xf32, #tpu.memory_space<vmem>>
        %dma_start3A_421 = arith.constant 0 : i32
        %dma_start3A_422 = arith.constant 0 : i32
        %dma_start3A_423 = tpu.memref_slice %arg10[%dma_start3A_421, %dma_start3A_422] : memref<25016x32xf32, #tpu.memory_space<vmem_shared>> -> memref<25016x32xf32, #tpu.memory_space<vmem_shared>>
        tpu.enqueue_indirect_dma source(%dma_start3A_420 : memref<16x32xf32, #tpu.memory_space<vmem>>) target(%dma_start3A_423 : memref<25016x32xf32, #tpu.memory_space<vmem_shared>>) offsets(%get3A_415 : vector<16xi32>) semaphore(%arg12 : memref<!tpu.dma_semaphore, #tpu.memory_space<semaphore_mem>>) {add = true}
        %add3A_424 = arith.constant 4 : i32
        %add3A_425 = arith.addi %mul3A_194, %add3A_424 : i32
        %mul3A_426 = arith.constant 16 : i32
        %mul3A_427 = arith.muli %add3A_425, %mul3A_426 : i32
        %get3A_428 = arith.index_cast %mul3A_427 : i32 to index
        %get3A_429 = tpu.vector_load %arg8[%get3A_428] {strides = array<i32>} : memref<2816xi32, #tpu.memory_space<vmem>>, vector<16xi32>,
        %dma_start3A_430 = arith.constant 4 : i32
        %dma_start3A_431 = arith.constant 0 : i32
        %dma_start3A_432 = arith.constant 0 : i32
        %dma_start3A_433 = tpu.memref_slice %arg9[%dma_start3A_430, %dma_start3A_431, %dma_start3A_432] : memref<8x16x32xf32, #tpu.memory_space<vmem>> -> memref<1x16x32xf32, #tpu.memory_space<vmem>>
        %dma_start3A_434 = tpu.memref_squeeze %dma_start3A_433 : memref<1x16x32xf32, #tpu.memory_space<vmem>> -> memref<16x32xf32, #tpu.memory_space<vmem>>
        %dma_start3A_435 = arith.constant 0 : i32
        %dma_start3A_436 = arith.constant 0 : i32
        %dma_start3A_437 = tpu.memref_slice %arg10[%dma_start3A_435, %dma_start3A_436] : memref<25016x32xf32, #tpu.memory_space<vmem_shared>> -> memref<25016x32xf32, #tpu.memory_space<vmem_shared>>
        tpu.enqueue_indirect_dma source(%dma_start3A_434 : memref<16x32xf32, #tpu.memory_space<vmem>>) target(%dma_start3A_437 : memref<25016x32xf32, #tpu.memory_space<vmem_shared>>) offsets(%get3A_429 : vector<16xi32>) semaphore(%arg12 : memref<!tpu.dma_semaphore, #tpu.memory_space<semaphore_mem>>) {add = true}
        %add3A_438 = arith.constant 5 : i32
        %add3A_439 = arith.addi %mul3A_194, %add3A_438 : i32
        %mul3A_440 = arith.constant 16 : i32
        %mul3A_441 = arith.muli %add3A_439, %mul3A_440 : i32
        %get3A_442 = arith.index_cast %mul3A_441 : i32 to index
        %get3A_443 = tpu.vector_load %arg8[%get3A_442] {strides = array<i32>} : memref<2816xi32, #tpu.memory_space<vmem>>, vector<16xi32>,
        %dma_start3A_444 = arith.constant 5 : i32
        %dma_start3A_445 = arith.constant 0 : i32
        %dma_start3A_446 = arith.constant 0 : i32
        %dma_start3A_447 = tpu.memref_slice %arg9[%dma_start3A_444, %dma_start3A_445, %dma_start3A_446] : memref<8x16x32xf32, #tpu.memory_space<vmem>> -> memref<1x16x32xf32, #tpu.memory_space<vmem>>
        %dma_start3A_448 = tpu.memref_squeeze %dma_start3A_447 : memref<1x16x32xf32, #tpu.memory_space<vmem>> -> memref<16x32xf32, #tpu.memory_space<vmem>>
        %dma_start3A_449 = arith.constant 0 : i32
        %dma_start3A_450 = arith.constant 0 : i32
        %dma_start3A_451 = tpu.memref_slice %arg10[%dma_start3A_449, %dma_start3A_450] : memref<25016x32xf32, #tpu.memory_space<vmem_shared>> -> memref<25016x32xf32, #tpu.memory_space<vmem_shared>>
        tpu.enqueue_indirect_dma source(%dma_start3A_448 : memref<16x32xf32, #tpu.memory_space<vmem>>) target(%dma_start3A_451 : memref<25016x32xf32, #tpu.memory_space<vmem_shared>>) offsets(%get3A_443 : vector<16xi32>) semaphore(%arg12 : memref<!tpu.dma_semaphore, #tpu.memory_space<semaphore_mem>>) {add = true}
        %add3A_452 = arith.constant 6 : i32
        %add3A_453 = arith.addi %mul3A_194, %add3A_452 : i32
        %mul3A_454 = arith.constant 16 : i32
        %mul3A_455 = arith.muli %add3A_453, %mul3A_454 : i32
        %get3A_456 = arith.index_cast %mul3A_455 : i32 to index
        %get3A_457 = tpu.vector_load %arg8[%get3A_456] {strides = array<i32>} : memref<2816xi32, #tpu.memory_space<vmem>>, vector<16xi32>,
        %dma_start3A_458 = arith.constant 6 : i32
        %dma_start3A_459 = arith.constant 0 : i32
        %dma_start3A_460 = arith.constant 0 : i32
        %dma_start3A_461 = tpu.memref_slice %arg9[%dma_start3A_458, %dma_start3A_459, %dma_start3A_460] : memref<8x16x32xf32, #tpu.memory_space<vmem>> -> memref<1x16x32xf32, #tpu.memory_space<vmem>>
        %dma_start3A_462 = tpu.memref_squeeze %dma_start3A_461 : memref<1x16x32xf32, #tpu.memory_space<vmem>> -> memref<16x32xf32, #tpu.memory_space<vmem>>
        %dma_start3A_463 = arith.constant 0 : i32
        %dma_start3A_464 = arith.constant 0 : i32
        %dma_start3A_465 = tpu.memref_slice %arg10[%dma_start3A_463, %dma_start3A_464] : memref<25016x32xf32, #tpu.memory_space<vmem_shared>> -> memref<25016x32xf32, #tpu.memory_space<vmem_shared>>
        tpu.enqueue_indirect_dma source(%dma_start3A_462 : memref<16x32xf32, #tpu.memory_space<vmem>>) target(%dma_start3A_465 : memref<25016x32xf32, #tpu.memory_space<vmem_shared>>) offsets(%get3A_457 : vector<16xi32>) semaphore(%arg12 : memref<!tpu.dma_semaphore, #tpu.memory_space<semaphore_mem>>) {add = true}
        %add3A_466 = arith.constant 7 : i32
        %add3A_467 = arith.addi %mul3A_194, %add3A_466 : i32
        %mul3A_468 = arith.constant 16 : i32
        %mul3A_469 = arith.muli %add3A_467, %mul3A_468 : i32
        %get3A_470 = arith.index_cast %mul3A_469 : i32 to index
        %get3A_471 = tpu.vector_load %arg8[%get3A_470] {strides = array<i32>} : memref<2816xi32, #tpu.memory_space<vmem>>, vector<16xi32>,
        %dma_start3A_472 = arith.constant 7 : i32
        %dma_start3A_473 = arith.constant 0 : i32
        %dma_start3A_474 = arith.constant 0 : i32
        %dma_start3A_475 = tpu.memref_slice %arg9[%dma_start3A_472, %dma_start3A_473, %dma_start3A_474] : memref<8x16x32xf32, #tpu.memory_space<vmem>> -> memref<1x16x32xf32, #tpu.memory_space<vmem>>
        %dma_start3A_476 = tpu.memref_squeeze %dma_start3A_475 : memref<1x16x32xf32, #tpu.memory_space<vmem>> -> memref<16x32xf32, #tpu.memory_space<vmem>>
        %dma_start3A_477 = arith.constant 0 : i32
        %dma_start3A_478 = arith.constant 0 : i32
        %dma_start3A_479 = tpu.memref_slice %arg10[%dma_start3A_477, %dma_start3A_478] : memref<25016x32xf32, #tpu.memory_space<vmem_shared>> -> memref<25016x32xf32, #tpu.memory_space<vmem_shared>>
        tpu.enqueue_indirect_dma source(%dma_start3A_476 : memref<16x32xf32, #tpu.memory_space<vmem>>) target(%dma_start3A_479 : memref<25016x32xf32, #tpu.memory_space<vmem_shared>>) offsets(%get3A_471 : vector<16xi32>) semaphore(%arg12 : memref<!tpu.dma_semaphore, #tpu.memory_space<semaphore_mem>>) {add = true}
        %dma_wait3A_480 = arith.constant 0 : i32
        %dma_wait3A_481 = arith.constant 0 : i32
        %dma_wait3A_482 = arith.constant 0 : i32
        %dma_wait3A_483 = tpu.memref_slice %arg9[%dma_wait3A_480, %dma_wait3A_481, %dma_wait3A_482] : memref<8x16x32xf32, #tpu.memory_space<vmem>> -> memref<1x16x32xf32, #tpu.memory_space<vmem>>
        %dma_wait3A_484 = tpu.memref_squeeze %dma_wait3A_483 : memref<1x16x32xf32, #tpu.memory_space<vmem>> -> memref<16x32xf32, #tpu.memory_space<vmem>>
        %dma_wait3A_485 = arith.constant 0 : i32
        %dma_wait3A_486 = arith.constant 0 : i32
        %dma_wait3A_487 = tpu.memref_slice %arg10[%dma_wait3A_485, %dma_wait3A_486] : memref<25016x32xf32, #tpu.memory_space<vmem_shared>> -> memref<25016x32xf32, #tpu.memory_space<vmem_shared>>
        tpu.wait_indirect_dma semaphore(%arg12 : memref<!tpu.dma_semaphore, #tpu.memory_space<semaphore_mem>>) src(%dma_wait3A_484 : memref<16x32xf32, #tpu.memory_space<vmem>>) dst(%dma_wait3A_487 : memref<25016x32xf32, #tpu.memory_space<vmem_shared>>)
        %dma_wait3A_488 = arith.constant 1 : i32
        %dma_wait3A_489 = arith.constant 0 : i32
        %dma_wait3A_490 = arith.constant 0 : i32
        %dma_wait3A_491 = tpu.memref_slice %arg9[%dma_wait3A_488, %dma_wait3A_489, %dma_wait3A_490] : memref<8x16x32xf32, #tpu.memory_space<vmem>> -> memref<1x16x32xf32, #tpu.memory_space<vmem>>
        %dma_wait3A_492 = tpu.memref_squeeze %dma_wait3A_491 : memref<1x16x32xf32, #tpu.memory_space<vmem>> -> memref<16x32xf32, #tpu.memory_space<vmem>>
        %dma_wait3A_493 = arith.constant 0 : i32
        %dma_wait3A_494 = arith.constant 0 : i32
        %dma_wait3A_495 = tpu.memref_slice %arg10[%dma_wait3A_493, %dma_wait3A_494] : memref<25016x32xf32, #tpu.memory_space<vmem_shared>> -> memref<25016x32xf32, #tpu.memory_space<vmem_shared>>
        tpu.wait_indirect_dma semaphore(%arg12 : memref<!tpu.dma_semaphore, #tpu.memory_space<semaphore_mem>>) src(%dma_wait3A_492 : memref<16x32xf32, #tpu.memory_space<vmem>>) dst(%dma_wait3A_495 : memref<25016x32xf32, #tpu.memory_space<vmem_shared>>)
        %dma_wait3A_496 = arith.constant 2 : i32
        %dma_wait3A_497 = arith.constant 0 : i32
        %dma_wait3A_498 = arith.constant 0 : i32
        %dma_wait3A_499 = tpu.memref_slice %arg9[%dma_wait3A_496, %dma_wait3A_497, %dma_wait3A_498] : memref<8x16x32xf32, #tpu.memory_space<vmem>> -> memref<1x16x32xf32, #tpu.memory_space<vmem>>
        %dma_wait3A_500 = tpu.memref_squeeze %dma_wait3A_499 : memref<1x16x32xf32, #tpu.memory_space<vmem>> -> memref<16x32xf32, #tpu.memory_space<vmem>>
        %dma_wait3A_501 = arith.constant 0 : i32
        %dma_wait3A_502 = arith.constant 0 : i32
        %dma_wait3A_503 = tpu.memref_slice %arg10[%dma_wait3A_501, %dma_wait3A_502] : memref<25016x32xf32, #tpu.memory_space<vmem_shared>> -> memref<25016x32xf32, #tpu.memory_space<vmem_shared>>
        tpu.wait_indirect_dma semaphore(%arg12 : memref<!tpu.dma_semaphore, #tpu.memory_space<semaphore_mem>>) src(%dma_wait3A_500 : memref<16x32xf32, #tpu.memory_space<vmem>>) dst(%dma_wait3A_503 : memref<25016x32xf32, #tpu.memory_space<vmem_shared>>)
        %dma_wait3A_504 = arith.constant 3 : i32
        %dma_wait3A_505 = arith.constant 0 : i32
        %dma_wait3A_506 = arith.constant 0 : i32
        %dma_wait3A_507 = tpu.memref_slice %arg9[%dma_wait3A_504, %dma_wait3A_505, %dma_wait3A_506] : memref<8x16x32xf32, #tpu.memory_space<vmem>> -> memref<1x16x32xf32, #tpu.memory_space<vmem>>
        %dma_wait3A_508 = tpu.memref_squeeze %dma_wait3A_507 : memref<1x16x32xf32, #tpu.memory_space<vmem>> -> memref<16x32xf32, #tpu.memory_space<vmem>>
        %dma_wait3A_509 = arith.constant 0 : i32
        %dma_wait3A_510 = arith.constant 0 : i32
        %dma_wait3A_511 = tpu.memref_slice %arg10[%dma_wait3A_509, %dma_wait3A_510] : memref<25016x32xf32, #tpu.memory_space<vmem_shared>> -> memref<25016x32xf32, #tpu.memory_space<vmem_shared>>
        tpu.wait_indirect_dma semaphore(%arg12 : memref<!tpu.dma_semaphore, #tpu.memory_space<semaphore_mem>>) src(%dma_wait3A_508 : memref<16x32xf32, #tpu.memory_space<vmem>>) dst(%dma_wait3A_511 : memref<25016x32xf32, #tpu.memory_space<vmem_shared>>)
        %dma_wait3A_512 = arith.constant 4 : i32
        %dma_wait3A_513 = arith.constant 0 : i32
        %dma_wait3A_514 = arith.constant 0 : i32
        %dma_wait3A_515 = tpu.memref_slice %arg9[%dma_wait3A_512, %dma_wait3A_513, %dma_wait3A_514] : memref<8x16x32xf32, #tpu.memory_space<vmem>> -> memref<1x16x32xf32, #tpu.memory_space<vmem>>
        %dma_wait3A_516 = tpu.memref_squeeze %dma_wait3A_515 : memref<1x16x32xf32, #tpu.memory_space<vmem>> -> memref<16x32xf32, #tpu.memory_space<vmem>>
        %dma_wait3A_517 = arith.constant 0 : i32
        %dma_wait3A_518 = arith.constant 0 : i32
        %dma_wait3A_519 = tpu.memref_slice %arg10[%dma_wait3A_517, %dma_wait3A_518] : memref<25016x32xf32, #tpu.memory_space<vmem_shared>> -> memref<25016x32xf32, #tpu.memory_space<vmem_shared>>
        tpu.wait_indirect_dma semaphore(%arg12 : memref<!tpu.dma_semaphore, #tpu.memory_space<semaphore_mem>>) src(%dma_wait3A_516 : memref<16x32xf32, #tpu.memory_space<vmem>>) dst(%dma_wait3A_519 : memref<25016x32xf32, #tpu.memory_space<vmem_shared>>)
        %dma_wait3A_520 = arith.constant 5 : i32
        %dma_wait3A_521 = arith.constant 0 : i32
        %dma_wait3A_522 = arith.constant 0 : i32
        %dma_wait3A_523 = tpu.memref_slice %arg9[%dma_wait3A_520, %dma_wait3A_521, %dma_wait3A_522] : memref<8x16x32xf32, #tpu.memory_space<vmem>> -> memref<1x16x32xf32, #tpu.memory_space<vmem>>
        %dma_wait3A_524 = tpu.memref_squeeze %dma_wait3A_523 : memref<1x16x32xf32, #tpu.memory_space<vmem>> -> memref<16x32xf32, #tpu.memory_space<vmem>>
        %dma_wait3A_525 = arith.constant 0 : i32
        %dma_wait3A_526 = arith.constant 0 : i32
        %dma_wait3A_527 = tpu.memref_slice %arg10[%dma_wait3A_525, %dma_wait3A_526] : memref<25016x32xf32, #tpu.memory_space<vmem_shared>> -> memref<25016x32xf32, #tpu.memory_space<vmem_shared>>
        tpu.wait_indirect_dma semaphore(%arg12 : memref<!tpu.dma_semaphore, #tpu.memory_space<semaphore_mem>>) src(%dma_wait3A_524 : memref<16x32xf32, #tpu.memory_space<vmem>>) dst(%dma_wait3A_527 : memref<25016x32xf32, #tpu.memory_space<vmem_shared>>)
        %dma_wait3A_528 = arith.constant 6 : i32
        %dma_wait3A_529 = arith.constant 0 : i32
        %dma_wait3A_530 = arith.constant 0 : i32
        %dma_wait3A_531 = tpu.memref_slice %arg9[%dma_wait3A_528, %dma_wait3A_529, %dma_wait3A_530] : memref<8x16x32xf32, #tpu.memory_space<vmem>> -> memref<1x16x32xf32, #tpu.memory_space<vmem>>
        %dma_wait3A_532 = tpu.memref_squeeze %dma_wait3A_531 : memref<1x16x32xf32, #tpu.memory_space<vmem>> -> memref<16x32xf32, #tpu.memory_space<vmem>>
        %dma_wait3A_533 = arith.constant 0 : i32
        %dma_wait3A_534 = arith.constant 0 : i32
        %dma_wait3A_535 = tpu.memref_slice %arg10[%dma_wait3A_533, %dma_wait3A_534] : memref<25016x32xf32, #tpu.memory_space<vmem_shared>> -> memref<25016x32xf32, #tpu.memory_space<vmem_shared>>
        tpu.wait_indirect_dma semaphore(%arg12 : memref<!tpu.dma_semaphore, #tpu.memory_space<semaphore_mem>>) src(%dma_wait3A_532 : memref<16x32xf32, #tpu.memory_space<vmem>>) dst(%dma_wait3A_535 : memref<25016x32xf32, #tpu.memory_space<vmem_shared>>)
        %dma_wait3A_536 = arith.constant 7 : i32
        %dma_wait3A_537 = arith.constant 0 : i32
        %dma_wait3A_538 = arith.constant 0 : i32
        %dma_wait3A_539 = tpu.memref_slice %arg9[%dma_wait3A_536, %dma_wait3A_537, %dma_wait3A_538] : memref<8x16x32xf32, #tpu.memory_space<vmem>> -> memref<1x16x32xf32, #tpu.memory_space<vmem>>
        %dma_wait3A_540 = tpu.memref_squeeze %dma_wait3A_539 : memref<1x16x32xf32, #tpu.memory_space<vmem>> -> memref<16x32xf32, #tpu.memory_space<vmem>>
        %dma_wait3A_541 = arith.constant 0 : i32
        %dma_wait3A_542 = arith.constant 0 : i32
        %dma_wait3A_543 = tpu.memref_slice %arg10[%dma_wait3A_541, %dma_wait3A_542] : memref<25016x32xf32, #tpu.memory_space<vmem_shared>> -> memref<25016x32xf32, #tpu.memory_space<vmem_shared>>
        tpu.wait_indirect_dma semaphore(%arg12 : memref<!tpu.dma_semaphore, #tpu.memory_space<semaphore_mem>>) src(%dma_wait3A_540 : memref<16x32xf32, #tpu.memory_space<vmem>>) dst(%dma_wait3A_543 : memref<25016x32xf32, #tpu.memory_space<vmem_shared>>)
        %while3A_544 = arith.constant 0 : i32
        scf.yield %while3A_544 : i32
      }
      %while3A_186 = arith.constant 1 : i32
      %while3A_187 = scf.for %while3A_191 = %while3A_183 to %while3A_179 step %while3A_186 iter_args(%while3A_192 = %while3A_185) -> (i32)  : i32 {
        %mul3A_193 = arith.constant 8 : i32
        %mul3A_194 = arith.muli %while3A_191, %mul3A_193 : i32
        %add3A_195 = arith.constant 0 : i32
        %add3A_196 = arith.addi %mul3A_194, %add3A_195 : i32
        %mul3A_197 = arith.constant 16 : i32
        %mul3A_198 = arith.muli %add3A_196, %mul3A_197 : i32
        %get3A = arith.index_cast %mul3A_198 : i32 to index
        %get3A_199 = tpu.vector_load %arg7[%get3A] {strides = array<i32>} : memref<2816xi32, #tpu.memory_space<vmem>>, vector<16xi32>,
        %dma_start3A = arith.constant 0 : i32
        %dma_start3A_200 = arith.constant 0 : i32
        %dma_start3A_201 = arith.constant 0 : i32
        %dma_start3A_202 = tpu.memref_slice %arg9[%dma_start3A, %dma_start3A_200, %dma_start3A_201] : memref<8x16x32xf32, #tpu.memory_space<vmem>> -> memref<1x16x32xf32, #tpu.memory_space<vmem>>
        %dma_start3A_203 = tpu.memref_squeeze %dma_start3A_202 : memref<1x16x32xf32, #tpu.memory_space<vmem>> -> memref<16x32xf32, #tpu.memory_space<vmem>>
        %dma_start3A_204 = arith.constant 0 : i32
        %dma_start3A_205 = arith.constant 0 : i32
        %dma_start3A_206 = tpu.memref_slice %arg4[%dma_start3A_204, %dma_start3A_205] : memref<819200x32xf32, #tpu.memory_space<hbm>> -> memref<819200x32xf32, #tpu.memory_space<hbm>>
        tpu.enqueue_indirect_dma source(%dma_start3A_206 : memref<819200x32xf32, #tpu.memory_space<hbm>>) target(%dma_start3A_203 : memref<16x32xf32, #tpu.memory_space<vmem>>) offsets(%get3A_199 : vector<16xi32>) semaphore(%arg11 : memref<!tpu.dma_semaphore, #tpu.memory_space<semaphore_mem>>)
        %add3A_207 = arith.constant 1 : i32
        %add3A_208 = arith.addi %mul3A_194, %add3A_207 : i32
        %mul3A_209 = arith.constant 16 : i32
        %mul3A_210 = arith.muli %add3A_208, %mul3A_209 : i32
        %get3A_211 = arith.index_cast %mul3A_210 : i32 to index
        %get3A_212 = tpu.vector_load %arg7[%get3A_211] {strides = array<i32>} : memref<2816xi32, #tpu.memory_space<vmem>>, vector<16xi32>,
        %dma_start3A_213 = arith.constant 1 : i32
        %dma_start3A_214 = arith.constant 0 : i32
        %dma_start3A_215 = arith.constant 0 : i32
        %dma_start3A_216 = tpu.memref_slice %arg9[%dma_start3A_213, %dma_start3A_214, %dma_start3A_215] : memref<8x16x32xf32, #tpu.memory_space<vmem>> -> memref<1x16x32xf32, #tpu.memory_space<vmem>>
        %dma_start3A_217 = tpu.memref_squeeze %dma_start3A_216 : memref<1x16x32xf32, #tpu.memory_space<vmem>> -> memref<16x32xf32, #tpu.memory_space<vmem>>
        %dma_start3A_218 = arith.constant 0 : i32
        %dma_start3A_219 = arith.constant 0 : i32
        %dma_start3A_220 = tpu.memref_slice %arg4[%dma_start3A_218, %dma_start3A_219] : memref<819200x32xf32, #tpu.memory_space<hbm>> -> memref<819200x32xf32, #tpu.memory_space<hbm>>
        tpu.enqueue_indirect_dma source(%dma_start3A_220 : memref<819200x32xf32, #tpu.memory_space<hbm>>) target(%dma_start3A_217 : memref<16x32xf32, #tpu.memory_space<vmem>>) offsets(%get3A_212 : vector<16xi32>) semaphore(%arg11 : memref<!tpu.dma_semaphore, #tpu.memory_space<semaphore_mem>>)
        %add3A_221 = arith.constant 2 : i32
        %add3A_222 = arith.addi %mul3A_194, %add3A_221 : i32
        %mul3A_223 = arith.constant 16 : i32
        %mul3A_224 = arith.muli %add3A_222, %mul3A_223 : i32
        %get3A_225 = arith.index_cast %mul3A_224 : i32 to index
        %get3A_226 = tpu.vector_load %arg7[%get3A_225] {strides = array<i32>} : memref<2816xi32, #tpu.memory_space<vmem>>, vector<16xi32>,
        %dma_start3A_227 = arith.constant 2 : i32
        %dma_start3A_228 = arith.constant 0 : i32
        %dma_start3A_229 = arith.constant 0 : i32
        %dma_start3A_230 = tpu.memref_slice %arg9[%dma_start3A_227, %dma_start3A_228, %dma_start3A_229] : memref<8x16x32xf32, #tpu.memory_space<vmem>> -> memref<1x16x32xf32, #tpu.memory_space<vmem>>
        %dma_start3A_231 = tpu.memref_squeeze %dma_start3A_230 : memref<1x16x32xf32, #tpu.memory_space<vmem>> -> memref<16x32xf32, #tpu.memory_space<vmem>>
        %dma_start3A_232 = arith.constant 0 : i32
        %dma_start3A_233 = arith.constant 0 : i32
        %dma_start3A_234 = tpu.memref_slice %arg4[%dma_start3A_232, %dma_start3A_233] : memref<819200x32xf32, #tpu.memory_space<hbm>> -> memref<819200x32xf32, #tpu.memory_space<hbm>>
        tpu.enqueue_indirect_dma source(%dma_start3A_234 : memref<819200x32xf32, #tpu.memory_space<hbm>>) target(%dma_start3A_231 : memref<16x32xf32, #tpu.memory_space<vmem>>) offsets(%get3A_226 : vector<16xi32>) semaphore(%arg11 : memref<!tpu.dma_semaphore, #tpu.memory_space<semaphore_mem>>)
        %add3A_235 = arith.constant 3 : i32
        %add3A_236 = arith.addi %mul3A_194, %add3A_235 : i32
        %mul3A_237 = arith.constant 16 : i32
        %mul3A_238 = arith.muli %add3A_236, %mul3A_237 : i32
        %get3A_239 = arith.index_cast %mul3A_238 : i32 to index
        %get3A_240 = tpu.vector_load %arg7[%get3A_239] {strides = array<i32>} : memref<2816xi32, #tpu.memory_space<vmem>>, vector<16xi32>,
        %dma_start3A_241 = arith.constant 3 : i32
        %dma_start3A_242 = arith.constant 0 : i32
        %dma_start3A_243 = arith.constant 0 : i32
        %dma_start3A_244 = tpu.memref_slice %arg9[%dma_start3A_241, %dma_start3A_242, %dma_start3A_243] : memref<8x16x32xf32, #tpu.memory_space<vmem>> -> memref<1x16x32xf32, #tpu.memory_space<vmem>>
        %dma_start3A_245 = tpu.memref_squeeze %dma_start3A_244 : memref<1x16x32xf32, #tpu.memory_space<vmem>> -> memref<16x32xf32, #tpu.memory_space<vmem>>
        %dma_start3A_246 = arith.constant 0 : i32
        %dma_start3A_247 = arith.constant 0 : i32
        %dma_start3A_248 = tpu.memref_slice %arg4[%dma_start3A_246, %dma_start3A_247] : memref<819200x32xf32, #tpu.memory_space<hbm>> -> memref<819200x32xf32, #tpu.memory_space<hbm>>
        tpu.enqueue_indirect_dma source(%dma_start3A_248 : memref<819200x32xf32, #tpu.memory_space<hbm>>) target(%dma_start3A_245 : memref<16x32xf32, #tpu.memory_space<vmem>>) offsets(%get3A_240 : vector<16xi32>) semaphore(%arg11 : memref<!tpu.dma_semaphore, #tpu.memory_space<semaphore_mem>>)
        %add3A_249 = arith.constant 4 : i32
        %add3A_250 = arith.addi %mul3A_194, %add3A_249 : i32
        %mul3A_251 = arith.constant 16 : i32
        %mul3A_252 = arith.muli %add3A_250, %mul3A_251 : i32
        %get3A_253 = arith.index_cast %mul3A_252 : i32 to index
        %get3A_254 = tpu.vector_load %arg7[%get3A_253] {strides = array<i32>} : memref<2816xi32, #tpu.memory_space<vmem>>, vector<16xi32>,
        %dma_start3A_255 = arith.constant 4 : i32
        %dma_start3A_256 = arith.constant 0 : i32
        %dma_start3A_257 = arith.constant 0 : i32
        %dma_start3A_258 = tpu.memref_slice %arg9[%dma_start3A_255, %dma_start3A_256, %dma_start3A_257] : memref<8x16x32xf32, #tpu.memory_space<vmem>> -> memref<1x16x32xf32, #tpu.memory_space<vmem>>
        %dma_start3A_259 = tpu.memref_squeeze %dma_start3A_258 : memref<1x16x32xf32, #tpu.memory_space<vmem>> -> memref<16x32xf32, #tpu.memory_space<vmem>>
        %dma_start3A_260 = arith.constant 0 : i32
        %dma_start3A_261 = arith.constant 0 : i32
        %dma_start3A_262 = tpu.memref_slice %arg4[%dma_start3A_260, %dma_start3A_261] : memref<819200x32xf32, #tpu.memory_space<hbm>> -> memref<819200x32xf32, #tpu.memory_space<hbm>>
        tpu.enqueue_indirect_dma source(%dma_start3A_262 : memref<819200x32xf32, #tpu.memory_space<hbm>>) target(%dma_start3A_259 : memref<16x32xf32, #tpu.memory_space<vmem>>) offsets(%get3A_254 : vector<16xi32>) semaphore(%arg11 : memref<!tpu.dma_semaphore, #tpu.memory_space<semaphore_mem>>)
        %add3A_263 = arith.constant 5 : i32
        %add3A_264 = arith.addi %mul3A_194, %add3A_263 : i32
        %mul3A_265 = arith.constant 16 : i32
        %mul3A_266 = arith.muli %add3A_264, %mul3A_265 : i32
        %get3A_267 = arith.index_cast %mul3A_266 : i32 to index
        %get3A_268 = tpu.vector_load %arg7[%get3A_267] {strides = array<i32>} : memref<2816xi32, #tpu.memory_space<vmem>>, vector<16xi32>,
        %dma_start3A_269 = arith.constant 5 : i32
        %dma_start3A_270 = arith.constant 0 : i32
        %dma_start3A_271 = arith.constant 0 : i32
        %dma_start3A_272 = tpu.memref_slice %arg9[%dma_start3A_269, %dma_start3A_270, %dma_start3A_271] : memref<8x16x32xf32, #tpu.memory_space<vmem>> -> memref<1x16x32xf32, #tpu.memory_space<vmem>>
        %dma_start3A_273 = tpu.memref_squeeze %dma_start3A_272 : memref<1x16x32xf32, #tpu.memory_space<vmem>> -> memref<16x32xf32, #tpu.memory_space<vmem>>
        %dma_start3A_274 = arith.constant 0 : i32
        %dma_start3A_275 = arith.constant 0 : i32
        %dma_start3A_276 = tpu.memref_slice %arg4[%dma_start3A_274, %dma_start3A_275] : memref<819200x32xf32, #tpu.memory_space<hbm>> -> memref<819200x32xf32, #tpu.memory_space<hbm>>
        tpu.enqueue_indirect_dma source(%dma_start3A_276 : memref<819200x32xf32, #tpu.memory_space<hbm>>) target(%dma_start3A_273 : memref<16x32xf32, #tpu.memory_space<vmem>>) offsets(%get3A_268 : vector<16xi32>) semaphore(%arg11 : memref<!tpu.dma_semaphore, #tpu.memory_space<semaphore_mem>>)
        %add3A_277 = arith.constant 6 : i32
        %add3A_278 = arith.addi %mul3A_194, %add3A_277 : i32
        %mul3A_279 = arith.constant 16 : i32
        %mul3A_280 = arith.muli %add3A_278, %mul3A_279 : i32
        %get3A_281 = arith.index_cast %mul3A_280 : i32 to index
        %get3A_282 = tpu.vector_load %arg7[%get3A_281] {strides = array<i32>} : memref<2816xi32, #tpu.memory_space<vmem>>, vector<16xi32>,
        %dma_start3A_283 = arith.constant 6 : i32
        %dma_start3A_284 = arith.constant 0 : i32
        %dma_start3A_285 = arith.constant 0 : i32
        %dma_start3A_286 = tpu.memref_slice %arg9[%dma_start3A_283, %dma_start3A_284, %dma_start3A_285] : memref<8x16x32xf32, #tpu.memory_space<vmem>> -> memref<1x16x32xf32, #tpu.memory_space<vmem>>
        %dma_start3A_287 = tpu.memref_squeeze %dma_start3A_286 : memref<1x16x32xf32, #tpu.memory_space<vmem>> -> memref<16x32xf32, #tpu.memory_space<vmem>>
        %dma_start3A_288 = arith.constant 0 : i32
        %dma_start3A_289 = arith.constant 0 : i32
        %dma_start3A_290 = tpu.memref_slice %arg4[%dma_start3A_288, %dma_start3A_289] : memref<819200x32xf32, #tpu.memory_space<hbm>> -> memref<819200x32xf32, #tpu.memory_space<hbm>>
        tpu.enqueue_indirect_dma source(%dma_start3A_290 : memref<819200x32xf32, #tpu.memory_space<hbm>>) target(%dma_start3A_287 : memref<16x32xf32, #tpu.memory_space<vmem>>) offsets(%get3A_282 : vector<16xi32>) semaphore(%arg11 : memref<!tpu.dma_semaphore, #tpu.memory_space<semaphore_mem>>)
        %add3A_291 = arith.constant 7 : i32
        %add3A_292 = arith.addi %mul3A_194, %add3A_291 : i32
        %mul3A_293 = arith.constant 16 : i32
        %mul3A_294 = arith.muli %add3A_292, %mul3A_293 : i32
        %get3A_295 = arith.index_cast %mul3A_294 : i32 to index
        %get3A_296 = tpu.vector_load %arg7[%get3A_295] {strides = array<i32>} : memref<2816xi32, #tpu.memory_space<vmem>>, vector<16xi32>,
        %dma_start3A_297 = arith.constant 7 : i32
        %dma_start3A_298 = arith.constant 0 : i32
        %dma_start3A_299 = arith.constant 0 : i32
        %dma_start3A_300 = tpu.memref_slice %arg9[%dma_start3A_297, %dma_start3A_298, %dma_start3A_299] : memref<8x16x32xf32, #tpu.memory_space<vmem>> -> memref<1x16x32xf32, #tpu.memory_space<vmem>>
        %dma_start3A_301 = tpu.memref_squeeze %dma_start3A_300 : memref<1x16x32xf32, #tpu.memory_space<vmem>> -> memref<16x32xf32, #tpu.memory_space<vmem>>
        %dma_start3A_302 = arith.constant 0 : i32
        %dma_start3A_303 = arith.constant 0 : i32
        %dma_start3A_304 = tpu.memref_slice %arg4[%dma_start3A_302, %dma_start3A_303] : memref<819200x32xf32, #tpu.memory_space<hbm>> -> memref<819200x32xf32, #tpu.memory_space<hbm>>
        tpu.enqueue_indirect_dma source(%dma_start3A_304 : memref<819200x32xf32, #tpu.memory_space<hbm>>) target(%dma_start3A_301 : memref<16x32xf32, #tpu.memory_space<vmem>>) offsets(%get3A_296 : vector<16xi32>) semaphore(%arg11 : memref<!tpu.dma_semaphore, #tpu.memory_space<semaphore_mem>>)
        %dma_wait3A = arith.constant 0 : i32
        %dma_wait3A_305 = arith.constant 0 : i32
        %dma_wait3A_306 = arith.constant 0 : i32
        %dma_wait3A_307 = tpu.memref_slice %arg9[%dma_wait3A, %dma_wait3A_305, %dma_wait3A_306] : memref<8x16x32xf32, #tpu.memory_space<vmem>> -> memref<1x16x32xf32, #tpu.memory_space<vmem>>
        %dma_wait3A_308 = tpu.memref_squeeze %dma_wait3A_307 : memref<1x16x32xf32, #tpu.memory_space<vmem>> -> memref<16x32xf32, #tpu.memory_space<vmem>>
        %dma_wait3A_309 = arith.constant 0 : i32
        %dma_wait3A_310 = arith.constant 0 : i32
        %dma_wait3A_311 = tpu.memref_slice %arg4[%dma_wait3A_309, %dma_wait3A_310] : memref<819200x32xf32, #tpu.memory_space<hbm>> -> memref<819200x32xf32, #tpu.memory_space<hbm>>
        tpu.wait_indirect_dma semaphore(%arg11 : memref<!tpu.dma_semaphore, #tpu.memory_space<semaphore_mem>>) src(%dma_wait3A_311 : memref<819200x32xf32, #tpu.memory_space<hbm>>) dst(%dma_wait3A_308 : memref<16x32xf32, #tpu.memory_space<vmem>>)
        %dma_wait3A_312 = arith.constant 1 : i32
        %dma_wait3A_313 = arith.constant 0 : i32
        %dma_wait3A_314 = arith.constant 0 : i32
        %dma_wait3A_315 = tpu.memref_slice %arg9[%dma_wait3A_312, %dma_wait3A_313, %dma_wait3A_314] : memref<8x16x32xf32, #tpu.memory_space<vmem>> -> memref<1x16x32xf32, #tpu.memory_space<vmem>>
        %dma_wait3A_316 = tpu.memref_squeeze %dma_wait3A_315 : memref<1x16x32xf32, #tpu.memory_space<vmem>> -> memref<16x32xf32, #tpu.memory_space<vmem>>
        %dma_wait3A_317 = arith.constant 0 : i32
        %dma_wait3A_318 = arith.constant 0 : i32
        %dma_wait3A_319 = tpu.memref_slice %arg4[%dma_wait3A_317, %dma_wait3A_318] : memref<819200x32xf32, #tpu.memory_space<hbm>> -> memref<819200x32xf32, #tpu.memory_space<hbm>>
        tpu.wait_indirect_dma semaphore(%arg11 : memref<!tpu.dma_semaphore, #tpu.memory_space<semaphore_mem>>) src(%dma_wait3A_319 : memref<819200x32xf32, #tpu.memory_space<hbm>>) dst(%dma_wait3A_316 : memref<16x32xf32, #tpu.memory_space<vmem>>)
        %dma_wait3A_320 = arith.constant 2 : i32
        %dma_wait3A_321 = arith.constant 0 : i32
        %dma_wait3A_322 = arith.constant 0 : i32
        %dma_wait3A_323 = tpu.memref_slice %arg9[%dma_wait3A_320, %dma_wait3A_321, %dma_wait3A_322] : memref<8x16x32xf32, #tpu.memory_space<vmem>> -> memref<1x16x32xf32, #tpu.memory_space<vmem>>
        %dma_wait3A_324 = tpu.memref_squeeze %dma_wait3A_323 : memref<1x16x32xf32, #tpu.memory_space<vmem>> -> memref<16x32xf32, #tpu.memory_space<vmem>>
        %dma_wait3A_325 = arith.constant 0 : i32
        %dma_wait3A_326 = arith.constant 0 : i32
        %dma_wait3A_327 = tpu.memref_slice %arg4[%dma_wait3A_325, %dma_wait3A_326] : memref<819200x32xf32, #tpu.memory_space<hbm>> -> memref<819200x32xf32, #tpu.memory_space<hbm>>
        tpu.wait_indirect_dma semaphore(%arg11 : memref<!tpu.dma_semaphore, #tpu.memory_space<semaphore_mem>>) src(%dma_wait3A_327 : memref<819200x32xf32, #tpu.memory_space<hbm>>) dst(%dma_wait3A_324 : memref<16x32xf32, #tpu.memory_space<vmem>>)
        %dma_wait3A_328 = arith.constant 3 : i32
        %dma_wait3A_329 = arith.constant 0 : i32
        %dma_wait3A_330 = arith.constant 0 : i32
        %dma_wait3A_331 = tpu.memref_slice %arg9[%dma_wait3A_328, %dma_wait3A_329, %dma_wait3A_330] : memref<8x16x32xf32, #tpu.memory_space<vmem>> -> memref<1x16x32xf32, #tpu.memory_space<vmem>>
        %dma_wait3A_332 = tpu.memref_squeeze %dma_wait3A_331 : memref<1x16x32xf32, #tpu.memory_space<vmem>> -> memref<16x32xf32, #tpu.memory_space<vmem>>
        %dma_wait3A_333 = arith.constant 0 : i32
        %dma_wait3A_334 = arith.constant 0 : i32
        %dma_wait3A_335 = tpu.memref_slice %arg4[%dma_wait3A_333, %dma_wait3A_334] : memref<819200x32xf32, #tpu.memory_space<hbm>> -> memref<819200x32xf32, #tpu.memory_space<hbm>>
        tpu.wait_indirect_dma semaphore(%arg11 : memref<!tpu.dma_semaphore, #tpu.memory_space<semaphore_mem>>) src(%dma_wait3A_335 : memref<819200x32xf32, #tpu.memory_space<hbm>>) dst(%dma_wait3A_332 : memref<16x32xf32, #tpu.memory_space<vmem>>)
        %dma_wait3A_336 = arith.constant 4 : i32
        %dma_wait3A_337 = arith.constant 0 : i32
        %dma_wait3A_338 = arith.constant 0 : i32
        %dma_wait3A_339 = tpu.memref_slice %arg9[%dma_wait3A_336, %dma_wait3A_337, %dma_wait3A_338] : memref<8x16x32xf32, #tpu.memory_space<vmem>> -> memref<1x16x32xf32, #tpu.memory_space<vmem>>
        %dma_wait3A_340 = tpu.memref_squeeze %dma_wait3A_339 : memref<1x16x32xf32, #tpu.memory_space<vmem>> -> memref<16x32xf32, #tpu.memory_space<vmem>>
        %dma_wait3A_341 = arith.constant 0 : i32
        %dma_wait3A_342 = arith.constant 0 : i32
        %dma_wait3A_343 = tpu.memref_slice %arg4[%dma_wait3A_341, %dma_wait3A_342] : memref<819200x32xf32, #tpu.memory_space<hbm>> -> memref<819200x32xf32, #tpu.memory_space<hbm>>
        tpu.wait_indirect_dma semaphore(%arg11 : memref<!tpu.dma_semaphore, #tpu.memory_space<semaphore_mem>>) src(%dma_wait3A_343 : memref<819200x32xf32, #tpu.memory_space<hbm>>) dst(%dma_wait3A_340 : memref<16x32xf32, #tpu.memory_space<vmem>>)
        %dma_wait3A_344 = arith.constant 5 : i32
        %dma_wait3A_345 = arith.constant 0 : i32
        %dma_wait3A_346 = arith.constant 0 : i32
        %dma_wait3A_347 = tpu.memref_slice %arg9[%dma_wait3A_344, %dma_wait3A_345, %dma_wait3A_346] : memref<8x16x32xf32, #tpu.memory_space<vmem>> -> memref<1x16x32xf32, #tpu.memory_space<vmem>>
        %dma_wait3A_348 = tpu.memref_squeeze %dma_wait3A_347 : memref<1x16x32xf32, #tpu.memory_space<vmem>> -> memref<16x32xf32, #tpu.memory_space<vmem>>
        %dma_wait3A_349 = arith.constant 0 : i32
        %dma_wait3A_350 = arith.constant 0 : i32
        %dma_wait3A_351 = tpu.memref_slice %arg4[%dma_wait3A_349, %dma_wait3A_350] : memref<819200x32xf32, #tpu.memory_space<hbm>> -> memref<819200x32xf32, #tpu.memory_space<hbm>>
        tpu.wait_indirect_dma semaphore(%arg11 : memref<!tpu.dma_semaphore, #tpu.memory_space<semaphore_mem>>) src(%dma_wait3A_351 : memref<819200x32xf32, #tpu.memory_space<hbm>>) dst(%dma_wait3A_348 : memref<16x32xf32, #tpu.memory_space<vmem>>)
        %dma_wait3A_352 = arith.constant 6 : i32
        %dma_wait3A_353 = arith.constant 0 : i32
        %dma_wait3A_354 = arith.constant 0 : i32
        %dma_wait3A_355 = tpu.memref_slice %arg9[%dma_wait3A_352, %dma_wait3A_353, %dma_wait3A_354] : memref<8x16x32xf32, #tpu.memory_space<vmem>> -> memref<1x16x32xf32, #tpu.memory_space<vmem>>
        %dma_wait3A_356 = tpu.memref_squeeze %dma_wait3A_355 : memref<1x16x32xf32, #tpu.memory_space<vmem>> -> memref<16x32xf32, #tpu.memory_space<vmem>>
        %dma_wait3A_357 = arith.constant 0 : i32
        %dma_wait3A_358 = arith.constant 0 : i32
        %dma_wait3A_359 = tpu.memref_slice %arg4[%dma_wait3A_357, %dma_wait3A_358] : memref<819200x32xf32, #tpu.memory_space<hbm>> -> memref<819200x32xf32, #tpu.memory_space<hbm>>
        tpu.wait_indirect_dma semaphore(%arg11 : memref<!tpu.dma_semaphore, #tpu.memory_space<semaphore_mem>>) src(%dma_wait3A_359 : memref<819200x32xf32, #tpu.memory_space<hbm>>) dst(%dma_wait3A_356 : memref<16x32xf32, #tpu.memory_space<vmem>>)
        %dma_wait3A_360 = arith.constant 7 : i32
        %dma_wait3A_361 = arith.constant 0 : i32
        %dma_wait3A_362 = arith.constant 0 : i32
        %dma_wait3A_363 = tpu.memref_slice %arg9[%dma_wait3A_360, %dma_wait3A_361, %dma_wait3A_362] : memref<8x16x32xf32, #tpu.memory_space<vmem>> -> memref<1x16x32xf32, #tpu.memory_space<vmem>>
        %dma_wait3A_364 = tpu.memref_squeeze %dma_wait3A_363 : memref<1x16x32xf32, #tpu.memory_space<vmem>> -> memref<16x32xf32, #tpu.memory_space<vmem>>
        %dma_wait3A_365 = arith.constant 0 : i32
        %dma_wait3A_366 = arith.constant 0 : i32
        %dma_wait3A_367 = tpu.memref_slice %arg4[%dma_wait3A_365, %dma_wait3A_366] : memref<819200x32xf32, #tpu.memory_space<hbm>> -> memref<819200x32xf32, #tpu.memory_space<hbm>>
        tpu.wait_indirect_dma semaphore(%arg11 : memref<!tpu.dma_semaphore, #tpu.memory_space<semaphore_mem>>) src(%dma_wait3A_367 : memref<819200x32xf32, #tpu.memory_space<hbm>>) dst(%dma_wait3A_364 : memref<16x32xf32, #tpu.memory_space<vmem>>)
        %add3A_368 = arith.constant 0 : i32
        %add3A_369 = arith.addi %mul3A_194, %add3A_368 : i32
        %mul3A_370 = arith.constant 16 : i32
        %mul3A_371 = arith.muli %add3A_369, %mul3A_370 : i32
        %get3A_372 = arith.index_cast %mul3A_371 : i32 to index
        %get3A_373 = tpu.vector_load %arg8[%get3A_372] {strides = array<i32>} : memref<2816xi32, #tpu.memory_space<vmem>>, vector<16xi32>,
        %dma_start3A_374 = arith.constant 0 : i32
        %dma_start3A_375 = arith.constant 0 : i32
        %dma_start3A_376 = arith.constant 0 : i32
        %dma_start3A_377 = tpu.memref_slice %arg9[%dma_start3A_374, %dma_start3A_375, %dma_start3A_376] : memref<8x16x32xf32, #tpu.memory_space<vmem>> -> memref<1x16x32xf32, #tpu.memory_space<vmem>>
        %dma_start3A_378 = tpu.memref_squeeze %dma_start3A_377 : memref<1x16x32xf32, #tpu.memory_space<vmem>> -> memref<16x32xf32, #tpu.memory_space<vmem>>
        %dma_start3A_379 = arith.constant 0 : i32
        %dma_start3A_380 = arith.constant 0 : i32
        %dma_start3A_381 = tpu.memref_slice %arg10[%dma_start3A_379, %dma_start3A_380] : memref<25016x32xf32, #tpu.memory_space<vmem_shared>> -> memref<25016x32xf32, #tpu.memory_space<vmem_shared>>
        tpu.enqueue_indirect_dma source(%dma_start3A_378 : memref<16x32xf32, #tpu.memory_space<vmem>>) target(%dma_start3A_381 : memref<25016x32xf32, #tpu.memory_space<vmem_shared>>) offsets(%get3A_373 : vector<16xi32>) semaphore(%arg12 : memref<!tpu.dma_semaphore, #tpu.memory_space<semaphore_mem>>) {add = true}
        %add3A_382 = arith.constant 1 : i32
        %add3A_383 = arith.addi %mul3A_194, %add3A_382 : i32
        %mul3A_384 = arith.constant 16 : i32
        %mul3A_385 = arith.muli %add3A_383, %mul3A_384 : i32
        %get3A_386 = arith.index_cast %mul3A_385 : i32 to index
        %get3A_387 = tpu.vector_load %arg8[%get3A_386] {strides = array<i32>} : memref<2816xi32, #tpu.memory_space<vmem>>, vector<16xi32>,
        %dma_start3A_388 = arith.constant 1 : i32
        %dma_start3A_389 = arith.constant 0 : i32
        %dma_start3A_390 = arith.constant 0 : i32
        %dma_start3A_391 = tpu.memref_slice %arg9[%dma_start3A_388, %dma_start3A_389, %dma_start3A_390] : memref<8x16x32xf32, #tpu.memory_space<vmem>> -> memref<1x16x32xf32, #tpu.memory_space<vmem>>
        %dma_start3A_392 = tpu.memref_squeeze %dma_start3A_391 : memref<1x16x32xf32, #tpu.memory_space<vmem>> -> memref<16x32xf32, #tpu.memory_space<vmem>>
        %dma_start3A_393 = arith.constant 0 : i32
        %dma_start3A_394 = arith.constant 0 : i32
        %dma_start3A_395 = tpu.memref_slice %arg10[%dma_start3A_393, %dma_start3A_394] : memref<25016x32xf32, #tpu.memory_space<vmem_shared>> -> memref<25016x32xf32, #tpu.memory_space<vmem_shared>>
        tpu.enqueue_indirect_dma source(%dma_start3A_392 : memref<16x32xf32, #tpu.memory_space<vmem>>) target(%dma_start3A_395 : memref<25016x32xf32, #tpu.memory_space<vmem_shared>>) offsets(%get3A_387 : vector<16xi32>) semaphore(%arg12 : memref<!tpu.dma_semaphore, #tpu.memory_space<semaphore_mem>>) {add = true}
        %add3A_396 = arith.constant 2 : i32
        %add3A_397 = arith.addi %mul3A_194, %add3A_396 : i32
        %mul3A_398 = arith.constant 16 : i32
        %mul3A_399 = arith.muli %add3A_397, %mul3A_398 : i32
        %get3A_400 = arith.index_cast %mul3A_399 : i32 to index
        %get3A_401 = tpu.vector_load %arg8[%get3A_400] {strides = array<i32>} : memref<2816xi32, #tpu.memory_space<vmem>>, vector<16xi32>,
        %dma_start3A_402 = arith.constant 2 : i32
        %dma_start3A_403 = arith.constant 0 : i32
        %dma_start3A_404 = arith.constant 0 : i32
        %dma_start3A_405 = tpu.memref_slice %arg9[%dma_start3A_402, %dma_start3A_403, %dma_start3A_404] : memref<8x16x32xf32, #tpu.memory_space<vmem>> -> memref<1x16x32xf32, #tpu.memory_space<vmem>>
        %dma_start3A_406 = tpu.memref_squeeze %dma_start3A_405 : memref<1x16x32xf32, #tpu.memory_space<vmem>> -> memref<16x32xf32, #tpu.memory_space<vmem>>
        %dma_start3A_407 = arith.constant 0 : i32
        %dma_start3A_408 = arith.constant 0 : i32
        %dma_start3A_409 = tpu.memref_slice %arg10[%dma_start3A_407, %dma_start3A_408] : memref<25016x32xf32, #tpu.memory_space<vmem_shared>> -> memref<25016x32xf32, #tpu.memory_space<vmem_shared>>
        tpu.enqueue_indirect_dma source(%dma_start3A_406 : memref<16x32xf32, #tpu.memory_space<vmem>>) target(%dma_start3A_409 : memref<25016x32xf32, #tpu.memory_space<vmem_shared>>) offsets(%get3A_401 : vector<16xi32>) semaphore(%arg12 : memref<!tpu.dma_semaphore, #tpu.memory_space<semaphore_mem>>) {add = true}
        %add3A_410 = arith.constant 3 : i32
        %add3A_411 = arith.addi %mul3A_194, %add3A_410 : i32
        %mul3A_412 = arith.constant 16 : i32
        %mul3A_413 = arith.muli %add3A_411, %mul3A_412 : i32
        %get3A_414 = arith.index_cast %mul3A_413 : i32 to index
        %get3A_415 = tpu.vector_load %arg8[%get3A_414] {strides = array<i32>} : memref<2816xi32, #tpu.memory_space<vmem>>, vector<16xi32>,
        %dma_start3A_416 = arith.constant 3 : i32
        %dma_start3A_417 = arith.constant 0 : i32
        %dma_start3A_418 = arith.constant 0 : i32
        %dma_start3A_419 = tpu.memref_slice %arg9[%dma_start3A_416, %dma_start3A_417, %dma_start3A_418] : memref<8x16x32xf32, #tpu.memory_space<vmem>> -> memref<1x16x32xf32, #tpu.memory_space<vmem>>
        %dma_start3A_420 = tpu.memref_squeeze %dma_start3A_419 : memref<1x16x32xf32, #tpu.memory_space<vmem>> -> memref<16x32xf32, #tpu.memory_space<vmem>>
        %dma_start3A_421 = arith.constant 0 : i32
        %dma_start3A_422 = arith.constant 0 : i32
        %dma_start3A_423 = tpu.memref_slice %arg10[%dma_start3A_421, %dma_start3A_422] : memref<25016x32xf32, #tpu.memory_space<vmem_shared>> -> memref<25016x32xf32, #tpu.memory_space<vmem_shared>>
        tpu.enqueue_indirect_dma source(%dma_start3A_420 : memref<16x32xf32, #tpu.memory_space<vmem>>) target(%dma_start3A_423 : memref<25016x32xf32, #tpu.memory_space<vmem_shared>>) offsets(%get3A_415 : vector<16xi32>) semaphore(%arg12 : memref<!tpu.dma_semaphore, #tpu.memory_space<semaphore_mem>>) {add = true}
        %add3A_424 = arith.constant 4 : i32
        %add3A_425 = arith.addi %mul3A_194, %add3A_424 : i32
        %mul3A_426 = arith.constant 16 : i32
        %mul3A_427 = arith.muli %add3A_425, %mul3A_426 : i32
        %get3A_428 = arith.index_cast %mul3A_427 : i32 to index
        %get3A_429 = tpu.vector_load %arg8[%get3A_428] {strides = array<i32>} : memref<2816xi32, #tpu.memory_space<vmem>>, vector<16xi32>,
        %dma_start3A_430 = arith.constant 4 : i32
        %dma_start3A_431 = arith.constant 0 : i32
        %dma_start3A_432 = arith.constant 0 : i32
        %dma_start3A_433 = tpu.memref_slice %arg9[%dma_start3A_430, %dma_start3A_431, %dma_start3A_432] : memref<8x16x32xf32, #tpu.memory_space<vmem>> -> memref<1x16x32xf32, #tpu.memory_space<vmem>>
        %dma_start3A_434 = tpu.memref_squeeze %dma_start3A_433 : memref<1x16x32xf32, #tpu.memory_space<vmem>> -> memref<16x32xf32, #tpu.memory_space<vmem>>
        %dma_start3A_435 = arith.constant 0 : i32
        %dma_start3A_436 = arith.constant 0 : i32
        %dma_start3A_437 = tpu.memref_slice %arg10[%dma_start3A_435, %dma_start3A_436] : memref<25016x32xf32, #tpu.memory_space<vmem_shared>> -> memref<25016x32xf32, #tpu.memory_space<vmem_shared>>
        tpu.enqueue_indirect_dma source(%dma_start3A_434 : memref<16x32xf32, #tpu.memory_space<vmem>>) target(%dma_start3A_437 : memref<25016x32xf32, #tpu.memory_space<vmem_shared>>) offsets(%get3A_429 : vector<16xi32>) semaphore(%arg12 : memref<!tpu.dma_semaphore, #tpu.memory_space<semaphore_mem>>) {add = true}
        %add3A_438 = arith.constant 5 : i32
        %add3A_439 = arith.addi %mul3A_194, %add3A_438 : i32
        %mul3A_440 = arith.constant 16 : i32
        %mul3A_441 = arith.muli %add3A_439, %mul3A_440 : i32
        %get3A_442 = arith.index_cast %mul3A_441 : i32 to index
        %get3A_443 = tpu.vector_load %arg8[%get3A_442] {strides = array<i32>} : memref<2816xi32, #tpu.memory_space<vmem>>, vector<16xi32>,
        %dma_start3A_444 = arith.constant 5 : i32
        %dma_start3A_445 = arith.constant 0 : i32
        %dma_start3A_446 = arith.constant 0 : i32
        %dma_start3A_447 = tpu.memref_slice %arg9[%dma_start3A_444, %dma_start3A_445, %dma_start3A_446] : memref<8x16x32xf32, #tpu.memory_space<vmem>> -> memref<1x16x32xf32, #tpu.memory_space<vmem>>
        %dma_start3A_448 = tpu.memref_squeeze %dma_start3A_447 : memref<1x16x32xf32, #tpu.memory_space<vmem>> -> memref<16x32xf32, #tpu.memory_space<vmem>>
        %dma_start3A_449 = arith.constant 0 : i32
        %dma_start3A_450 = arith.constant 0 : i32
        %dma_start3A_451 = tpu.memref_slice %arg10[%dma_start3A_449, %dma_start3A_450] : memref<25016x32xf32, #tpu.memory_space<vmem_shared>> -> memref<25016x32xf32, #tpu.memory_space<vmem_shared>>
        tpu.enqueue_indirect_dma source(%dma_start3A_448 : memref<16x32xf32, #tpu.memory_space<vmem>>) target(%dma_start3A_451 : memref<25016x32xf32, #tpu.memory_space<vmem_shared>>) offsets(%get3A_443 : vector<16xi32>) semaphore(%arg12 : memref<!tpu.dma_semaphore, #tpu.memory_space<semaphore_mem>>) {add = true}
        %add3A_452 = arith.constant 6 : i32
        %add3A_453 = arith.addi %mul3A_194, %add3A_452 : i32
        %mul3A_454 = arith.constant 16 : i32
        %mul3A_455 = arith.muli %add3A_453, %mul3A_454 : i32
        %get3A_456 = arith.index_cast %mul3A_455 : i32 to index
        %get3A_457 = tpu.vector_load %arg8[%get3A_456] {strides = array<i32>} : memref<2816xi32, #tpu.memory_space<vmem>>, vector<16xi32>,
        %dma_start3A_458 = arith.constant 6 : i32
        %dma_start3A_459 = arith.constant 0 : i32
        %dma_start3A_460 = arith.constant 0 : i32
        %dma_start3A_461 = tpu.memref_slice %arg9[%dma_start3A_458, %dma_start3A_459, %dma_start3A_460] : memref<8x16x32xf32, #tpu.memory_space<vmem>> -> memref<1x16x32xf32, #tpu.memory_space<vmem>>
        %dma_start3A_462 = tpu.memref_squeeze %dma_start3A_461 : memref<1x16x32xf32, #tpu.memory_space<vmem>> -> memref<16x32xf32, #tpu.memory_space<vmem>>
        %dma_start3A_463 = arith.constant 0 : i32
        %dma_start3A_464 = arith.constant 0 : i32
        %dma_start3A_465 = tpu.memref_slice %arg10[%dma_start3A_463, %dma_start3A_464] : memref<25016x32xf32, #tpu.memory_space<vmem_shared>> -> memref<25016x32xf32, #tpu.memory_space<vmem_shared>>
        tpu.enqueue_indirect_dma source(%dma_start3A_462 : memref<16x32xf32, #tpu.memory_space<vmem>>) target(%dma_start3A_465 : memref<25016x32xf32, #tpu.memory_space<vmem_shared>>) offsets(%get3A_457 : vector<16xi32>) semaphore(%arg12 : memref<!tpu.dma_semaphore, #tpu.memory_space<semaphore_mem>>) {add = true}
        %add3A_466 = arith.constant 7 : i32
        %add3A_467 = arith.addi %mul3A_194, %add3A_466 : i32
        %mul3A_468 = arith.constant 16 : i32
        %mul3A_469 = arith.muli %add3A_467, %mul3A_468 : i32
        %get3A_470 = arith.index_cast %mul3A_469 : i32 to index
        %get3A_471 = tpu.vector_load %arg8[%get3A_470] {strides = array<i32>} : memref<2816xi32, #tpu.memory_space<vmem>>, vector<16xi32>,
        %dma_start3A_472 = arith.constant 7 : i32
        %dma_start3A_473 = arith.constant 0 : i32
        %dma_start3A_474 = arith.constant 0 : i32
        %dma_start3A_475 = tpu.memref_slice %arg9[%dma_start3A_472, %dma_start3A_473, %dma_start3A_474] : memref<8x16x32xf32, #tpu.memory_space<vmem>> -> memref<1x16x32xf32, #tpu.memory_space<vmem>>
        %dma_start3A_476 = tpu.memref_squeeze %dma_start3A_475 : memref<1x16x32xf32, #tpu.memory_space<vmem>> -> memref<16x32xf32, #tpu.memory_space<vmem>>
        %dma_start3A_477 = arith.constant 0 : i32
        %dma_start3A_478 = arith.constant 0 : i32
        %dma_start3A_479 = tpu.memref_slice %arg10[%dma_start3A_477, %dma_start3A_478] : memref<25016x32xf32, #tpu.memory_space<vmem_shared>> -> memref<25016x32xf32, #tpu.memory_space<vmem_shared>>
        tpu.enqueue_indirect_dma source(%dma_start3A_476 : memref<16x32xf32, #tpu.memory_space<vmem>>) target(%dma_start3A_479 : memref<25016x32xf32, #tpu.memory_space<vmem_shared>>) offsets(%get3A_471 : vector<16xi32>) semaphore(%arg12 : memref<!tpu.dma_semaphore, #tpu.memory_space<semaphore_mem>>) {add = true}
        %dma_wait3A_480 = arith.constant 0 : i32
        %dma_wait3A_481 = arith.constant 0 : i32
        %dma_wait3A_482 = arith.constant 0 : i32
        %dma_wait3A_483 = tpu.memref_slice %arg9[%dma_wait3A_480, %dma_wait3A_481, %dma_wait3A_482] : memref<8x16x32xf32, #tpu.memory_space<vmem>> -> memref<1x16x32xf32, #tpu.memory_space<vmem>>
        %dma_wait3A_484 = tpu.memref_squeeze %dma_wait3A_483 : memref<1x16x32xf32, #tpu.memory_space<vmem>> -> memref<16x32xf32, #tpu.memory_space<vmem>>
        %dma_wait3A_485 = arith.constant 0 : i32
        %dma_wait3A_486 = arith.constant 0 : i32
        %dma_wait3A_487 = tpu.memref_slice %arg10[%dma_wait3A_485, %dma_wait3A_486] : memref<25016x32xf32, #tpu.memory_space<vmem_shared>> -> memref<25016x32xf32, #tpu.memory_space<vmem_shared>>
        tpu.wait_indirect_dma semaphore(%arg12 : memref<!tpu.dma_semaphore, #tpu.memory_space<semaphore_mem>>) src(%dma_wait3A_484 : memref<16x32xf32, #tpu.memory_space<vmem>>) dst(%dma_wait3A_487 : memref<25016x32xf32, #tpu.memory_space<vmem_shared>>)
        %dma_wait3A_488 = arith.constant 1 : i32
        %dma_wait3A_489 = arith.constant 0 : i32
        %dma_wait3A_490 = arith.constant 0 : i32
        %dma_wait3A_491 = tpu.memref_slice %arg9[%dma_wait3A_488, %dma_wait3A_489, %dma_wait3A_490] : memref<8x16x32xf32, #tpu.memory_space<vmem>> -> memref<1x16x32xf32, #tpu.memory_space<vmem>>
        %dma_wait3A_492 = tpu.memref_squeeze %dma_wait3A_491 : memref<1x16x32xf32, #tpu.memory_space<vmem>> -> memref<16x32xf32, #tpu.memory_space<vmem>>
        %dma_wait3A_493 = arith.constant 0 : i32
        %dma_wait3A_494 = arith.constant 0 : i32
        %dma_wait3A_495 = tpu.memref_slice %arg10[%dma_wait3A_493, %dma_wait3A_494] : memref<25016x32xf32, #tpu.memory_space<vmem_shared>> -> memref<25016x32xf32, #tpu.memory_space<vmem_shared>>
        tpu.wait_indirect_dma semaphore(%arg12 : memref<!tpu.dma_semaphore, #tpu.memory_space<semaphore_mem>>) src(%dma_wait3A_492 : memref<16x32xf32, #tpu.memory_space<vmem>>) dst(%dma_wait3A_495 : memref<25016x32xf32, #tpu.memory_space<vmem_shared>>)
        %dma_wait3A_496 = arith.constant 2 : i32
        %dma_wait3A_497 = arith.constant 0 : i32
        %dma_wait3A_498 = arith.constant 0 : i32
        %dma_wait3A_499 = tpu.memref_slice %arg9[%dma_wait3A_496, %dma_wait3A_497, %dma_wait3A_498] : memref<8x16x32xf32, #tpu.memory_space<vmem>> -> memref<1x16x32xf32, #tpu.memory_space<vmem>>
        %dma_wait3A_500 = tpu.memref_squeeze %dma_wait3A_499 : memref<1x16x32xf32, #tpu.memory_space<vmem>> -> memref<16x32xf32, #tpu.memory_space<vmem>>
        %dma_wait3A_501 = arith.constant 0 : i32
        %dma_wait3A_502 = arith.constant 0 : i32
        %dma_wait3A_503 = tpu.memref_slice %arg10[%dma_wait3A_501, %dma_wait3A_502] : memref<25016x32xf32, #tpu.memory_space<vmem_shared>> -> memref<25016x32xf32, #tpu.memory_space<vmem_shared>>
        tpu.wait_indirect_dma semaphore(%arg12 : memref<!tpu.dma_semaphore, #tpu.memory_space<semaphore_mem>>) src(%dma_wait3A_500 : memref<16x32xf32, #tpu.memory_space<vmem>>) dst(%dma_wait3A_503 : memref<25016x32xf32, #tpu.memory_space<vmem_shared>>)
        %dma_wait3A_504 = arith.constant 3 : i32
        %dma_wait3A_505 = arith.constant 0 : i32
        %dma_wait3A_506 = arith.constant 0 : i32
        %dma_wait3A_507 = tpu.memref_slice %arg9[%dma_wait3A_504, %dma_wait3A_505, %dma_wait3A_506] : memref<8x16x32xf32, #tpu.memory_space<vmem>> -> memref<1x16x32xf32, #tpu.memory_space<vmem>>
        %dma_wait3A_508 = tpu.memref_squeeze %dma_wait3A_507 : memref<1x16x32xf32, #tpu.memory_space<vmem>> -> memref<16x32xf32, #tpu.memory_space<vmem>>
        %dma_wait3A_509 = arith.constant 0 : i32
        %dma_wait3A_510 = arith.constant 0 : i32
        %dma_wait3A_511 = tpu.memref_slice %arg10[%dma_wait3A_509, %dma_wait3A_510] : memref<25016x32xf32, #tpu.memory_space<vmem_shared>> -> memref<25016x32xf32, #tpu.memory_space<vmem_shared>>
        tpu.wait_indirect_dma semaphore(%arg12 : memref<!tpu.dma_semaphore, #tpu.memory_space<semaphore_mem>>) src(%dma_wait3A_508 : memref<16x32xf32, #tpu.memory_space<vmem>>) dst(%dma_wait3A_511 : memref<25016x32xf32, #tpu.memory_space<vmem_shared>>)
        %dma_wait3A_512 = arith.constant 4 : i32
        %dma_wait3A_513 = arith.constant 0 : i32
        %dma_wait3A_514 = arith.constant 0 : i32
        %dma_wait3A_515 = tpu.memref_slice %arg9[%dma_wait3A_512, %dma_wait3A_513, %dma_wait3A_514] : memref<8x16x32xf32, #tpu.memory_space<vmem>> -> memref<1x16x32xf32, #tpu.memory_space<vmem>>
        %dma_wait3A_516 = tpu.memref_squeeze %dma_wait3A_515 : memref<1x16x32xf32, #tpu.memory_space<vmem>> -> memref<16x32xf32, #tpu.memory_space<vmem>>
        %dma_wait3A_517 = arith.constant 0 : i32
        %dma_wait3A_518 = arith.constant 0 : i32
        %dma_wait3A_519 = tpu.memref_slice %arg10[%dma_wait3A_517, %dma_wait3A_518] : memref<25016x32xf32, #tpu.memory_space<vmem_shared>> -> memref<25016x32xf32, #tpu.memory_space<vmem_shared>>
        tpu.wait_indirect_dma semaphore(%arg12 : memref<!tpu.dma_semaphore, #tpu.memory_space<semaphore_mem>>) src(%dma_wait3A_516 : memref<16x32xf32, #tpu.memory_space<vmem>>) dst(%dma_wait3A_519 : memref<25016x32xf32, #tpu.memory_space<vmem_shared>>)
        %dma_wait3A_520 = arith.constant 5 : i32
        %dma_wait3A_521 = arith.constant 0 : i32
        %dma_wait3A_522 = arith.constant 0 : i32
        %dma_wait3A_523 = tpu.memref_slice %arg9[%dma_wait3A_520, %dma_wait3A_521, %dma_wait3A_522] : memref<8x16x32xf32, #tpu.memory_space<vmem>> -> memref<1x16x32xf32, #tpu.memory_space<vmem>>
        %dma_wait3A_524 = tpu.memref_squeeze %dma_wait3A_523 : memref<1x16x32xf32, #tpu.memory_space<vmem>> -> memref<16x32xf32, #tpu.memory_space<vmem>>
        %dma_wait3A_525 = arith.constant 0 : i32
        %dma_wait3A_526 = arith.constant 0 : i32
        %dma_wait3A_527 = tpu.memref_slice %arg10[%dma_wait3A_525, %dma_wait3A_526] : memref<25016x32xf32, #tpu.memory_space<vmem_shared>> -> memref<25016x32xf32, #tpu.memory_space<vmem_shared>>
        tpu.wait_indirect_dma semaphore(%arg12 : memref<!tpu.dma_semaphore, #tpu.memory_space<semaphore_mem>>) src(%dma_wait3A_524 : memref<16x32xf32, #tpu.memory_space<vmem>>) dst(%dma_wait3A_527 : memref<25016x32xf32, #tpu.memory_space<vmem_shared>>)
        %dma_wait3A_528 = arith.constant 6 : i32
        %dma_wait3A_529 = arith.constant 0 : i32
        %dma_wait3A_530 = arith.constant 0 : i32
        %dma_wait3A_531 = tpu.memref_slice %arg9[%dma_wait3A_528, %dma_wait3A_529, %dma_wait3A_530] : memref<8x16x32xf32, #tpu.memory_space<vmem>> -> memref<1x16x32xf32, #tpu.memory_space<vmem>>
        %dma_wait3A_532 = tpu.memref_squeeze %dma_wait3A_531 : memref<1x16x32xf32, #tpu.memory_space<vmem>> -> memref<16x32xf32, #tpu.memory_space<vmem>>
        %dma_wait3A_533 = arith.constant 0 : i32
        %dma_wait3A_534 = arith.constant 0 : i32
        %dma_wait3A_535 = tpu.memref_slice %arg10[%dma_wait3A_533, %dma_wait3A_534] : memref<25016x32xf32, #tpu.memory_space<vmem_shared>> -> memref<25016x32xf32, #tpu.memory_space<vmem_shared>>
        tpu.wait_indirect_dma semaphore(%arg12 : memref<!tpu.dma_semaphore, #tpu.memory_space<semaphore_mem>>) src(%dma_wait3A_532 : memref<16x32xf32, #tpu.memory_space<vmem>>) dst(%dma_wait3A_535 : memref<25016x32xf32, #tpu.memory_space<vmem_shared>>)
        %dma_wait3A_536 = arith.constant 7 : i32
        %dma_wait3A_537 = arith.constant 0 : i32
        %dma_wait3A_538 = arith.constant 0 : i32
        %dma_wait3A_539 = tpu.memref_slice %arg9[%dma_wait3A_536, %dma_wait3A_537, %dma_wait3A_538] : memref<8x16x32xf32, #tpu.memory_space<vmem>> -> memref<1x16x32xf32, #tpu.memory_space<vmem>>
        %dma_wait3A_540 = tpu.memref_squeeze %dma_wait3A_539 : memref<1x16x32xf32, #tpu.memory_space<vmem>> -> memref<16x32xf32, #tpu.memory_space<vmem>>
        %dma_wait3A_541 = arith.constant 0 : i32
        %dma_wait3A_542 = arith.constant 0 : i32
        %dma_wait3A_543 = tpu.memref_slice %arg10[%dma_wait3A_541, %dma_wait3A_542] : memref<25016x32xf32, #tpu.memory_space<vmem_shared>> -> memref<25016x32xf32, #tpu.memory_space<vmem_shared>>
        tpu.wait_indirect_dma semaphore(%arg12 : memref<!tpu.dma_semaphore, #tpu.memory_space<semaphore_mem>>) src(%dma_wait3A_540 : memref<16x32xf32, #tpu.memory_space<vmem>>) dst(%dma_wait3A_543 : memref<25016x32xf32, #tpu.memory_space<vmem_shared>>)
        %while3A_544 = arith.constant 0 : i32
        scf.yield %while3A_544 : i32
      }
      %barrier3A_188 = arith.constant 0 : index
      tpu.barrier barrier_id(%barrier3A_188)
      %add3A_189 = arith.addi %mul3A_10, %min3A_13 : i32
      "tpu.region"() ({
        %run_scoped3A = tpu.sem_alloc : memref<!tpu.dma_semaphore, #tpu.memory_space<semaphore_mem>>
        %dma_start3A = arith.constant 0 : i32
        %dma_start3A_191 = tpu.memref_slice %arg5[%add3A_189, %dma_start3A] : memref<1000000x32xf32, #tpu.memory_space<hbm>> -> memref<1568x32xf32, #tpu.memory_space<hbm>>
        %dma_start3A_192 = arith.constant 0 : i32
        %dma_start3A_193 = tpu.memref_slice %arg10[%min3A_13, %dma_start3A_192] : memref<25016x32xf32, #tpu.memory_space<vmem_shared>> -> memref<1568x32xf32, #tpu.memory_space<vmem_shared>>
        tpu.enqueue_dma source(%dma_start3A_193 : memref<1568x32xf32, #tpu.memory_space<vmem_shared>>) target(%dma_start3A_191 : memref<1568x32xf32, #tpu.memory_space<hbm>>) target_semaphore(%run_scoped3A : memref<!tpu.dma_semaphore, #tpu.memory_space<semaphore_mem>>)
        %dma_wait3A = arith.constant 0 : i32
        %dma_wait3A_194 = tpu.memref_slice %arg5[%add3A_189, %dma_wait3A] : memref<1000000x32xf32, #tpu.memory_space<hbm>> -> memref<1568x32xf32, #tpu.memory_space<hbm>>
        %dma_wait3A_195 = arith.constant 0 : i32
        %dma_wait3A_196 = tpu.memref_slice %arg10[%min3A_13, %dma_wait3A_195] : memref<25016x32xf32, #tpu.memory_space<vmem_shared>> -> memref<1568x32xf32, #tpu.memory_space<vmem_shared>>
        tpu.wait_dma2 semaphore(%run_scoped3A : memref<!tpu.dma_semaphore, #tpu.memory_space<semaphore_mem>>) src(%dma_wait3A_196 : memref<1568x32xf32, #tpu.memory_space<vmem_shared>>) dst(%dma_wait3A_194 : memref<1568x32xf32, #tpu.memory_space<hbm>>)
        tpu.yield
      }) : () -> ()
      %scan3A_190 = arith.constant 0 : i32
      scf.yield %scan3A_190 : i32
    }
    %scan3A_5 = arith.constant 20 : i32
    return
  }
}

</mosaic_0001>

<sc_bundles>
// kernel: _scatter_add.3.cloned.1.call-start
scs
__scs_entry_jumppad:
0x0: {  	(pc) =	sbr.rel $0x88, $3  }
0x1: {  	(tag) =	ssettag $0x0;
	lr =	simm.s32 $0x1  }
0x2: {  	[smem:$0x3F9E] =	sst lr;
	_ =	strace $0xD0000000  }
0x3: {  	_ = 	snop  }
0x4: {  	_ = 	snop  }
0x5: {  	_ = 	snop  }
0x6: {  	_ = 	snop  }
0x7: {  	_ = 	snop  }
__scs_overlays_trampoline_lowered:
0x8: {  	[smem:$0x3FAD] =	sst s0  }
0x9: {  	[smem:$0x3FAE] =	sst s1  }
0xa: {  	[smem:$0x3FAF] =	sst s2  }
0xb: {  	[smem:$0x3FB0] =	sst s3  }
0xc: {  	[smem:$0x3FB1] =	sst s4  }
0xd: {  	[smem:$0x3FB2] =	sst s5  }
0xe: {  	[smem:$0x3FB3] =	sst s6  }
0xf: {  	[smem:$0x3FB4] =	sst s7  }
0x10: {  	[smem:$0x3FB5] =	sst s8  }
0x11: {  	[smem:$0x3FB6] =	sst s9;
	s0 =	simm.s32 @!p0 $0x0  }
0x12: {  	s1 =	sld [smem:$0x3F9C];
	s0 =	simm.s32 @p0 $0x1  }
0x13: {  	[smem:$0x3FB7] =	sst s0;
	s0 =	simm.s32 @!p1 $0x0  }
0x14: {  	s2 =	sld [smem:$0x3F9B];
	s0 =	simm.s32 @p1 $0x1  }
0x15: {  	[smem:$0x3FB8] =	sst s0;
	s0 =	simm.s32 @!p2 $0x0  }
0x16: {  	s3 =	sld [smem:$0x3FDB];
	s0 =	simm.s32 @p2 $0x1  }
0x17: {  	s4 =	simm.s32 $0x1BF5;
	[smem:$0x3FBA] =	sst s0  }
0x18: {  	s0 =	sld [smem:$0x3F9D];
	_ =	swait.ge [sflag:s4], $0x0  }
0x19: {  	s7 =	sld [smem:$0x3F9E]  }
0x1a: {  	s8 =	sadd.s32 $0xFFFFE003, lr  }
0x1b: {  	s9 =	sadd.s32 $0xFFFFFEF7, lr;
	s5 =	simm.s32 $0xFFFFFFFF;
	p2 =	slt.u32 s8, $0xFFFFF086  }
0x1c: {  	p1 =	slt.u32 s9, $0xF7A;
	s5 =	simm.s32 @!p2 $0x0  }
0x1d: {  	s5 =	simm.s32 @p1 $0x1;
	p0 =	seq.s32 s7, s2  }
0x1e: {  	s7 =	smul.u32 @!p0 $0xF7A, s2;
	p2 =	seq.s32 @!p0 s5, $0x0  }
0x1f: {  	s9 =	smul.u32 $0xF7A, s1;
	s8 =	simm.s32 @!p0 $0x1BF5;
	p2 =	por !p2, p0  }
0x20: {  	[sflag:s8] =	ssyncset.s32 @!p0 $0xFFFFF086;
	s6 =	sadd.s32 @!p0 s3, s7;
	s7 =	simm.s32 @!p0 $0x108  }
0x21: {  	s3 =	sadd.s32 s3, s9;
	s6 =	sadd.s32 @!p0 $0x88, s6;
	s7 =	simm.s32 @p2 $0x1082  }
0x22: {  	[simem:s7], [sflag:s8] =	dma.local @!p0 [hbm:s6], $0xF7A  }
0x23: {  	s9 =	sor.u32 $0xD0000000, s2;
	s6 =	simm.s32 $0x108;
	_ =	swait.ge @!p0 [sflag:s8], $0x0  }
0x24: {  	s3 =	sadd.s32 $0x88, s3;
	s6 =	simm.s32 @!p1 $0x1082;
	[sflag:s4] =	ssyncset.s32 $0xFFFFF086  }
0x25: {  	[simem:s6], [sflag:s4] =	dma.local [hbm:s3], $0xF7A  }
0x26: {  	[smem:$0x3F9E] =	sst s1;
	(tag) =	ssettag s2;
	_ =	strace s9  }
0x27: {  	s1 =	sld [smem:$0x3FAE]  }
0x28: {  	s2 =	sld [smem:$0x3FAF]  }
0x29: {  	s4 =	sld [smem:$0x3FB1]  }
0x2a: {  	p0 =	seq.s32 s5, $0x0;
	s5 =	sld [smem:$0x3FB2]  }
0x2b: {  	s6 =	sld [smem:$0x3FB3]  }
0x2c: {  	s7 =	sld [smem:$0x3FB4]  }
0x2d: {  	s3 =	simm.s32 $0x108;
	s8 =	sld [smem:$0x3FB5]  }
0x2e: {  	s3 =	simm.s32 @!p0 $0x1082;
	s9 =	sld [smem:$0x3FB6]  }
0x2f: {  	lr =	sadd.s32 s0, s3;
	s0 =	sld [smem:$0x3FAD]  }
0x30: {  	s3 =	sld [smem:$0x3FB0]  }
0x31: {  	[smem:$0x3FB9] =	sst s10  }
0x32: {  	s10 =	sld [smem:$0x3FB7];
	_ =	sdelay $0x3  }
0x33: {  	p0 =	seq.s32 s10, $0x1;
	s10 =	sld [smem:$0x3FB9];
	_ =	sdelay $0x3  }
0x34: {  	[smem:$0x3FB9] =	sst s10  }
0x35: {  	s10 =	sld [smem:$0x3FB8];
	_ =	sdelay $0x3  }
0x36: {  	p1 =	seq.s32 s10, $0x1;
	s10 =	sld [smem:$0x3FB9];
	_ =	sdelay $0x3  }
0x37: {  	[smem:$0x3FB9] =	sst s10  }
0x38: {  	s10 =	sld [smem:$0x3FBA]  }
0x39: {  	_ = 	snop;
	(pc) =	sbr.ind lr, $3  }
0x3a: {  	_ = 	snop  }
0x3b: {  	_ = 	snop  }
0x3c: {  	p2 =	seq.s32 s10, $0x1;
	s10 =	sld [smem:$0x3FB9]  }
0x3d: {  	_ =	shalt  }
0x3e: {  	_ =	shalt  }
0x3f: {  	_ =	shalt  }
0x40: {  	_ =	shalt  }
0x41: {  	_ =	shalt  }
0x42: {  	_ =	shalt  }
0x43: {  	_ =	shalt  }
0x44: {  	_ =	shalt  }
0x45: {  	_ =	shalt  }
0x46: {  	_ =	shalt  }
0x47: {  	_ =	shalt  }
0x48: {  	_ =	shalt  }
0x49: {  	_ =	shalt  }
0x4a: {  	_ =	shalt  }
0x4b: {  	_ =	shalt  }
0x4c: {  	_ =	shalt  }
0x4d: {  	_ =	shalt  }
0x4e: {  	_ =	shalt  }
0x4f: {  	_ =	shalt  }
0x50: {  	_ =	shalt  }
0x51: {  	_ =	shalt  }
0x52: {  	_ =	shalt  }
0x53: {  	_ =	shalt  }
0x54: {  	_ =	shalt  }
0x55: {  	_ =	shalt  }
0x56: {  	_ =	shalt  }
0x57: {  	_ =	shalt  }
0x58: {  	_ =	shalt  }
0x59: {  	_ =	shalt  }
0x5a: {  	_ =	shalt  }
0x5b: {  	_ =	shalt  }
0x5c: {  	_ =	shalt  }
0x5d: {  	_ =	shalt  }
0x5e: {  	_ =	shalt  }
0x5f: {  	_ =	shalt  }
0x60: {  	_ =	shalt  }
0x61: {  	_ =	shalt  }
0x62: {  	_ =	shalt  }
0x63: {  	_ =	shalt  }
0x64: {  	_ =	shalt  }
0x65: {  	_ =	shalt  }
0x66: {  	_ =	shalt  }
0x67: {  	_ =	shalt  }
0x68: {  	_ =	shalt  }
0x69: {  	_ =	shalt  }
0x6a: {  	_ =	shalt  }
0x6b: {  	_ =	shalt  }
0x6c: {  	_ =	shalt  }
0x6d: {  	_ =	shalt  }
0x6e: {  	_ =	shalt  }
0x6f: {  	_ =	shalt  }
0x70: {  	_ =	shalt  }
0x71: {  	_ =	shalt  }
0x72: {  	_ =	shalt  }
0x73: {  	_ =	shalt  }
0x74: {  	_ =	shalt  }
0x75: {  	_ =	shalt  }
0x76: {  	_ =	shalt  }
0x77: {  	_ =	shalt  }
0x78: {  	_ =	shalt  }
0x79: {  	_ =	shalt  }
0x7a: {  	_ =	shalt  }
0x7b: {  	_ =	shalt  }
0x7c: {  	_ =	shalt  }
0x7d: {  	_ =	shalt  }
0x7e: {  	_ =	shalt  }
0x7f: {  	_ =	shalt  }
0x80: {  	_ =	shalt  }
0x81: {  	_ =	shalt  }
0x82: {  	_ =	shalt  }
0x83: {  	_ =	shalt  }
0x84: {  	_ =	shalt  }
0x85: {  	_ =	shalt  }
0x86: {  	_ =	shalt  }
0x87: {  	_ =	shalt  }
.Lfunc_end0:
.L_simem_size_0:
called_computation.1_lowered:
.L_overlay_start_0:
0x88: {  	s2 =	sld [smem:$0x3FD9]  }
0x89: {  	s3 =	sld [smem:$0x3FFE];
	_ =	sdelay $0x1  }
0x8a: {  	s1 =	srdreg.scid  }
0x8b: {  	s0 =	sand.u32 $0x1, s1  }
0x8c: {  	s17 =	sshll.u32 s0, $0xA;
	s2 =	sadd.s32 s3, s2  }
0x8d: {  	s2 =	sadd.s32 s2, s17  }
0x8e: {  	[smem:$0x3FC5] =	sst s2  }
0x8f: {  	_ = 	snop  }
0x90: {  	s2 =	sld [smem:$0x3FC8]  }
0x91: {  	s18 =	sld [smem:$0x3FD0];
	(tm) =	ssettm $0x1  }
0x92: {  	s4 =	sld [smem:$0x3FFB];
	_ =	sdelay $0x3  }
0x93: {  	_ =	strace s4  }
0x94: {  	s4 =	sld [smem:$0x3FFC];
	_ =	sdelay $0x3  }
0x95: {  	_ =	strace s4  }
0x96: {  	s4 =	sld [smem:$0x3FFD];
	_ =	sdelay $0x3  }
0x97: {  	_ =	strace s4  }
0x98: {  	_ =	strace $0x8FFFFFFF  }
0x99: {  	s19 =	sld [smem:$0x3FDB];
	_ =	sdelay $0x1  }
0x9a: {  	s5 =	simm.s32 $_scs_section_size  }
0x9b: {  	s6 =	simm.s32 $_size__tile_overlayer_lowered;
	s7 =	simm.s32 $_tile_overlayer_lowered  }
0x9c: {  	s22 =	simm.s32 $0x1BFF;
	s21 =	sshll.u32 s7, $0x1;
	s4 =	sadd.s32 s5, s19  }
0x9d: {  	s8 =	simm.s32 $0x0;
	s20 =	sshll.u32 s6, $0x1;
	s6 =	sadd.s32 s21, s4  }
0x9e: {  	[timem:s8], [sflag:s22] =	dma.local [hbm:s6], s20  }
0x9f: {  	_ =	swait.ge [sflag:s22], s20  }
0xa0: {  	s5 =	ssub.s32 $0x0, s20;
	[sflag:s22] =	ssyncset.done $0x0  }
0xa1: {  	[sflag:s22] =	ssyncadd.s32 s5;
	_ =	sdelay $0x1  }
0xa2: {  	s23 =	simm.s32 $0x1B8B  }
0xa3: {  	_ =	swait.ge [sflag:s23], $0x1  }
0xa4: {  	[sflag:s23] =	ssyncset.done $0x0  }
0xa5: {  	s25 =	simm.s32 $0x1B8E;
	s24 =	sld [smem:$0x3FFE];
	[sflag:s23] =	ssyncadd.s32 $0xFFFFFFFF  }
0xa6: {  	s26 =	simm.s32 $execute0_lowered;
	[smem:$0x3FD2] =	sst s25  }
0xa7: {  	s6 =	sshll.u32 s26, $0x1;
	_ =	strace $0x80000046;
	[dreg:$0x1] =	wrdreg $0xFFFFFFFF  }
0xa8: {  	s28 =	simm.s32 $_size_execute0_lowered;
	s4 =	sadd.s32 s4, s6;
	[dreg:$0x0] =	wrdreg $0x0  }
0xa9: {  	s6 =	sshll.u32 s28, $0x1;
	[dreg:$0x2] =	wrdreg s4  }
0xaa: {  	[dreg:$0x3] =	wrdreg s6  }
0xab: {  	[dreg:$0x4] =	wrdreg $0xC0  }
0xac: {  	_ =	task [dreg:s8], $0x5FFFF  }
0xad: {  	[dreg:$0x1] =	wrdreg $0xFFFFFFFF  }
0xae: {  	[dreg:$0x0] =	wrdreg $0x60  }
0xaf: {  	[dreg:$0x2] =	wrdreg s18  }
0xb0: {  	[dreg:$0x3] =	wrdreg s2  }
0xb1: {  	[dreg:$0x4] =	wrdreg s24  }
0xb2: {  	[dreg:$0x5] =	wrdreg $0xEE000  }
0xb3: {  	[dreg:$0x6] =	wrdreg $0x9  }
0xb4: {  	_ =	task.clear_ibuf [dreg:s8], $0x7FFFF;
	_ =	strace $0x90000046  }
0xb5: {  	s29 =	simm.s32 $0x9;
	_ =	strace $0x80000048  }
0xb6: {  	_ =	swait.ge [sflag:s29], $0x1  }
0xb7: {  	[sflag:s29] =	ssyncadd.s32 $0xFFFFFFFF  }
0xb8: {  	_ =	strace $0x90000048  }
0xb9: {  	_ =	sfence  }
0xba: {  	s30 =	sld [smem:$0x0];
	_ =	sdelay $0x2  }
0xbb: {  	s31 =	sshll.u32 s1, $0xD;
	s1 =	sshrl.u32 s1, $0x2  }
0xbc: {  	s3 =	sand.u32 $0x4000, s31;
	s1 =	sadd.s32 s1, s30  }
0xbd: {  	s0 =	sor.u32 s3, s0;
	s1 =	sshll.u32 s1, $0x11  }
0xbe: {  	s0 =	sor.u32 s1, s0  }
0xbf: {  	s0 =	sadd.s32 $0x8F2B, s0  }
0xc0: {  	[sflag:s0] =	ssyncadd.remote.s32 $0x1  }
0xc1: {  	_ =	sfence.sel $0xFFFF  }
0xc2: {  	[dreg:$0x0] =	wrdreg $0xFFFFFFFF;
	(pc) =	sbr.abs _section_cstart, $3  }
0xc3: {  	[dreg:$0x1] =	wrdreg $0xFFFFFFFF  }
0xc4: {  	_ =	task.clear_ibuf [dreg:s8], $0x2FFFF;
	_ =	strace $0x9FFFFFFF  }
0xc5: {  	(tm) =	ssettm $0x7FFFFFFF  }
tec
execute0_lowered:
.L_overlay_start_1:
0x0: {  	(tag) =	ssettag $0x1  }
0x1: {  	s1 =	rddreg [dreg:$0x0]  }
0x2: {  	s0 =	rddreg [dreg:$0x1]  }
0x3: {  	s2 =	rddreg [dreg:$0x2]  }
0x4: {  	s3 =	rddreg [dreg:$0x3];
	s4 =	simm.s32 $0x0  }
0x5: {  	s13 =	stileid.u32;
	s6 =	srdreg.scid;
	s12 =	simm.s32 $0x3  }
0x6: {  	s15 =	simm.s32 $0xC800;
	s16 =	simm.s32 $0xD300;
	s17 =	simm.s32 $0x1  }
0x7: {  	s18 =	simm.s32 $0xDE00;
	s25 =	simm.s32 $0xEC00;
	s28 =	simm.s32 $0x0  }
0x8: {  	[smem:$0x7FF] =	sst s4;
	s5 =	smul.u32 $0xC800, s13;
	s9 =	sand.u32 $0x1, s6  }
0x9: {  	s8 =	smul.u32 $0x620, s13;
	s6 =	sadd.s32 $0xC80800, s2;
	s7 =	sadd.s32 $0x800, s2  }
0xa: {  	s31 =	sshll.u32 s13, $0x6;
	_ =	strace $0x80000047;
	s26 =	ssub.s32 $0x2, s9  }
0xb: {  	s13 =	sor.u32 $0x1C03, s31;
	s10 =	sshrl.u32 s26, $0x1;
	s11 =	sshrl.u32 s5, $0x3  }
0xc: {  	s8 =	smin.u32 s8, $0x5B88;
	s30 =	sor.u32 $0x10, s5;
	s19 =	sor.u32 $0x20, s5  }
0xd: {  	s20 =	sor.u32 $0x30, s5;
	s21 =	sor.u32 $0x40, s5;
	s22 =	sor.u32 $0x50, s5  }
0xe: {  	s23 =	sor.u32 $0x60, s5;
	s24 =	sor.u32 $0x70, s5;
	s2 =	ssub.s32 s26, s10  }
.Ltmp0:
0xf: {  	v0 =	vlaneseq.u32;
	s0 =	sadd.s32 s0, s11;
	s29 =	sshll.u32 s8, $0x5;
	(pc) =	sbr.rel .LBB2_1-.Ltmp0, $4  }
0x10: {  	s10 =	smul.u32 $0x14, s9;
	v3 =	vor.u32 s19, v0;
	v4 =	vor.u32 s20, v0;
	s19 =	simm.s32 $0xE000;
	s20 =	simm.s32 $0xE200  }
0x11: {  	v5 =	vor.u32 s21, v0;
	s21 =	simm.s32 $0xE400;
	v6 =	vor.u32 s22, v0;
	v7 =	vor.u32 s23, v0;
	s22 =	simm.s32 $0xE600;
	s23 =	simm.s32 $0xE800  }
0x12: {  	v9 =	vimm.s32 $0x0;
	vm0 =	vmmov $0xffff;
	v8 =	vor.u32 s24, v0;
	s24 =	simm.s32 $0xEA00;
	[dreg:$0x5] =	wrdreg s0;
	s0 =	sadd.s32 s29, s3  }
0x13: {  	v10 =	vadd.s32 $0x61A8, v0;
	v1 =	vor.u32 s5, v0;
	v2 =	vor.u32 s30, v0;
	s26 =	simm.s32 $0x2;
	s11 =	smax.u32 s2, $0x1;
	s14 =	sshrl.u32 s0, $0x3  }
.LBB2_8:
0x14: {  	s28 =	sadd.s32 $0x1, s28  }
0x15: {  	p0 =	sne.s32 s28, s11  }
.Ltmp1:
0x16: {  	_ = 	snop;
	(pc) =	sbr.rel @!p0 .LBB2_9-.Ltmp1, $1  }
0x17: {  	_ =	sdelay $0x3  }
.LBB2_1:
.Ltmp2:
0x18: {  	s0 =	rddreg [dreg:$0x5];
	(pc) =	sbr.rel .LBB2_2-.Ltmp2, $4  }
0x19: {  	[tilespmem:s4], [sflag:$0x3] =	stream.linear.gather [hbm4b:s0+s4], $0xC800, $0x38;
	[tilespmem:$0x1B170] =	vst v63  }
0x1a: {  	_ =	swait.ge [sflag:s12], $0xC800  }
0x1b: {  	[sflag:s12] =	ssyncset.done $0x0  }
0x1c: {  	s29 =	simm.s32 $0x0;
	[sflag:s12] =	ssyncadd.s32 $0xFFFF3800  }
.LBB2_7:
0x1d: {  	s29 =	sadd.s32 $0x1, s29  }
0x1e: {  	p0 =	sne.s32 s29, $0x14  }
.Ltmp3:
0x1f: {  	[bflag:$0x0] =	sbarrier.arrive $0xFFFF;
	s0 =	sadd.s32 s7, s30;
	(pc) =	sbr.rel @!p0 .LBB2_8-.Ltmp3, $4  }
0x20: {  	[hbm:s0], [sflag:s13] =	dma.local [spmem:s14], $0x1880  }
0x21: {  	_ =	swait.ge [sflag:s12], $0x1880  }
0x22: {  	[sflag:s12] =	ssyncset.done $0x0  }
0x23: {  	[sflag:s12] =	ssyncadd.s32 $0xFFFFE780  }
.LBB2_2:
0x24: {  	s0 =	sadd.s32 s10, s29  }
0x25: {  	s0 =	smul.u32 $0x61A8, s0;
	_ =	sdelay $0x1  }
0x26: {  	s2 =	sadd.s32 s8, s0  }
0x27: {  	s30 =	sshll.u32 s2, $0x2  }
0x28: {  	s2 =	sadd.s32 s1, s30  }
0x29: {  	[spmem:s14], [sflag:s13] =	dma.local [hbm:s2], $0x1880  }
0x2a: {  	_ =	swait.ge [sflag:s12], $0x1880  }
0x2b: {  	[sflag:s12] =	ssyncset.done $0x0  }
0x2c: {  	[sflag:s12] =	ssyncadd.s32 $0xFFFFE780  }
0x2d: {  	s9 =	simm.s32 $0x0;
	[bflag:$0x0] =	sbarrier.arrive $0xFFFF  }
0x2e: {  	v13 =	vld [tilespmem:s9+$0x0];
	_ =	sdelay $0x2  }
0x2f: {  	s9 =	sadd.s32 $0x61A8, s0  }
0x30: {  	v11 =	vmov s0;
	v12 =	vmov s9  }
0x31: {  	vm1 =	vge.s32 v13, v11;
	vm2 =	vlt.s32 v13, v12  }
0x32: {  	vm1 =	vmand vm1, vm2  }
0x33: {  	v14 =	vsel vm1, $0x1, v9  }
0x34: {  	(xrf0) =	vadd.scan.msk.s32 $0xffff, v14;
	_ =	sdelay $0x5  }
0x35: {  	s9 =	simm.s32 $0xFFFFFFFF;
	v14, _, _ =	vpop (xrf0)  }
0x36: {  	v15 =	vadd.s32 s9, v14;
	(v2sf) =	vpush v14, $0xF;
	_ =	sdelay $0x4  }
0x37: {  	s31 =	simm.s32 $0x80;
	v13 =	vsub.s32 v13, v11;
	[tilespmem:v15+s15+$0x0] =	vst.idx.msk vm1, v1  }
0x38: {  	s2 =	smov.u32 s5;
	s0 =	simm.s32 $0x0;
	s9 =	simm.s32 $0x10;
	[tilespmem:v15+s16+$0x0] =	vst.idx.msk vm1, v13  }
.LBB2_3:
0x39: {  	p0 =	sne.s32 s31, $0x31FC0;
	v13 =	vld [tilespmem:s9+$0x0];
	_ =	sdelay $0x4  }
0x3a: {  	vm1 =	vge.s32 v13, v11;
	vm2 =	vlt.s32 v13, v12;
	v13 =	vsub.s32 v13, v11  }
0x3b: {  	vm1 =	vmand vm1, vm2  }
0x3c: {  	v14 =	vsel vm1, $0x1, v9  }
0x3d: {  	(xrf0) =	vadd.scan.msk.s32 $0xffff, v14;
	s9 =	spop (v2sf)  }
0x3e: {  	s0 =	sadd.s32 s0, s9  }
0x3f: {  	s9 =	sadd.s32 $0xFFFFFFFF, s0;
	_ =	sdelay $0x3  }
0x40: {  	v14, _, _ =	vpop (xrf0)  }
0x41: {  	v15 =	vadd.s32 s9, v14;
	(v2sf) =	vpush v14, $0xF;
	_ =	sdelay $0x1  }
.Ltmp4:
0x42: {  	(pc) =	sbr.rel @p0 .LBB2_3-.Ltmp4, $4  }
0x43: {  	s2 =	sadd.s32 $0x10, s2  }
0x44: {  	v14 =	vor.u32 s2, v0  }
0x45: {  	[tilespmem:v15+s15+$0x0] =	vst.idx.msk vm1, v14  }
0x46: {  	s9 =	sshra.s32 s31, $0x2;
	s31 =	sadd.s32 $0x40, s31;
	[tilespmem:v15+s16+$0x0] =	vst.idx.msk vm1, v13  }
0x47: {  	v13 =	vld [tilespmem:s9+$0x0];
	_ =	sdelay $0x4  }
0x48: {  	vm1 =	vge.s32 v13, v11;
	vm2 =	vlt.s32 v13, v12  }
0x49: {  	vm1 =	vmand vm1, vm2  }
0x4a: {  	v63 =	vsel vm1, $0x1, v9  }
0x4b: {  	(xrf0) =	vadd.scan.msk.s32 $0xffff, v63;
	_ =	sdelay $0x5  }
0x4c: {  	v12, _, _ =	vpop (xrf0)  }
0x4d: {  	(v2sf) =	vpush v12, $0xF;
	_ =	sdelay $0x6  }
0x4e: {  	s9 =	spop (v2sf)  }
0x4f: {  	s0 =	sadd.s32 s0, s9  }
0x50: {  	s9 =	sadd.s32 $0xFFFFFFFF, s0  }
0x51: {  	v12 =	vadd.s32 s9, v12;
	_ =	sdelay $0x2  }
0x52: {  	s2 =	sadd.s32 $0x10, s2  }
0x53: {  	v14 =	vor.u32 s2, v0  }
0x54: {  	v11 =	vsub.s32 v13, v11;
	[tilespmem:v12+s15+$0x0] =	vst.idx.msk vm1, v14;
	s9 =	spop (v2sf)  }
0x55: {  	[tilespmem:v12+s16+$0x0] =	vst.idx.msk vm1, v11;
	s0 =	sadd.s32 s0, s9  }
0x56: {  	[tilespmem:s0+$0xC800] =	vst v1  }
0x57: {  	[tilespmem:s0+$0xD300] =	vst v10  }
0x58: {  	[tilespmem:s0+$0xC810] =	vst v2  }
0x59: {  	[tilespmem:s0+$0xD310] =	vst v10;
	s2 =	sadd.s32 $0x7F, s0  }
0x5a: {  	[tilespmem:s0+$0xC820] =	vst v3;
	s9 =	sand.u32 $0x7F, s2  }
0x5b: {  	[tilespmem:s0+$0xD320] =	vst v10;
	p1 =	slt.s32 s2, $0x1;
	p0 =	sne.s32 s9, $0x0;
	s9 =	sshra.s32 s2, $0x1F  }
0x5c: {  	[tilespmem:s0+$0xC830] =	vst v4;
	s9 =	sshrl.u32 s9, $0x19;
	p0 =	por !p1, !p0  }
0x5d: {  	[tilespmem:s0+$0xD330] =	vst v10;
	s2 =	sadd.s32 s9, s2;
	p0 =	por !p0, !p0;
	s9 =	simm.s32 $0x1  }
0x5e: {  	[tilespmem:s0+$0xC840] =	vst v5;
	s2 =	sshra.s32 s2, $0x7;
	s9 =	simm.s32 @!p0 $0x0  }
0x5f: {  	[tilespmem:s0+$0xD340] =	vst v10;
	s31 =	ssub.s32 s2, s9  }
0x60: {  	[tilespmem:s0+$0xC850] =	vst v6;
	p0 =	slt.s32 s31, $0x1  }
.Ltmp5:
0x61: {  	[tilespmem:s0+$0xD350] =	vst v10;
	(pc) =	sbr.rel @p0 .LBB2_7-.Ltmp5, $4  }
0x62: {  	[tilespmem:s0+$0xC860] =	vst v7  }
0x63: {  	[tilespmem:s0+$0xD360] =	vst v10  }
0x64: {  	[tilespmem:s0+$0xC870] =	vst v8  }
0x65: {  	[tilespmem:s0+$0xD370] =	vst v10  }
0x66: {  	s0 =	simm.s32 $0xC840;
	s2 =	simm.s32 $0xD340  }
.LBB2_6:
0x67: {  	v11 =	vld [tilespmem:s0+$0xFFFFFFC0];
	_ =	sdelay $0x7  }
0x68: {  	[tilespmem:s18], [sflag:$0x1] =	stream.indirect_vreg.gather [hbm4b:s6+s4], $0x20, v11, vm0, $0xb8;
	[tilespmem:$0x1B170] =	vst v63  }
0x69: {  	v11 =	vld [tilespmem:s0+$0xFFFFFFD0];
	_ =	sdelay $0x7  }
0x6a: {  	[tilespmem:s19], [sflag:$0x1] =	stream.indirect_vreg.gather [hbm4b:s6+s4], $0x20, v11, vm0, $0xb8;
	[tilespmem:$0x1B170] =	vst v63  }
0x6b: {  	v11 =	vld [tilespmem:s0+$0xFFFFFFE0];
	_ =	sdelay $0x7  }
0x6c: {  	[tilespmem:s20], [sflag:$0x1] =	stream.indirect_vreg.gather [hbm4b:s6+s4], $0x20, v11, vm0, $0xb8;
	[tilespmem:$0x1B170] =	vst v63  }
0x6d: {  	v11 =	vld [tilespmem:s0+$0xFFFFFFF0];
	_ =	sdelay $0x7  }
0x6e: {  	[tilespmem:s21], [sflag:$0x1] =	stream.indirect_vreg.gather [hbm4b:s6+s4], $0x20, v11, vm0, $0xb8;
	[tilespmem:$0x1B170] =	vst v63  }
0x6f: {  	v11 =	vld [tilespmem:s0+$0x0];
	_ =	sdelay $0x7  }
0x70: {  	[tilespmem:s22], [sflag:$0x1] =	stream.indirect_vreg.gather [hbm4b:s6+s4], $0x20, v11, vm0, $0xb8;
	[tilespmem:$0x1B170] =	vst v63  }
0x71: {  	v11 =	vld [tilespmem:s0+$0x10];
	_ =	sdelay $0x7  }
0x72: {  	[tilespmem:s23], [sflag:$0x1] =	stream.indirect_vreg.gather [hbm4b:s6+s4], $0x20, v11, vm0, $0xb8;
	[tilespmem:$0x1B170] =	vst v63  }
0x73: {  	v11 =	vld [tilespmem:s0+$0x20];
	_ =	sdelay $0x7  }
0x74: {  	[tilespmem:s24], [sflag:$0x1] =	stream.indirect_vreg.gather [hbm4b:s6+s4], $0x20, v11, vm0, $0xb8;
	[tilespmem:$0x1B170] =	vst v63  }
0x75: {  	v11 =	vld [tilespmem:s0+$0x30];
	_ =	sdelay $0x7  }
0x76: {  	[tilespmem:s25], [sflag:$0x1] =	stream.indirect_vreg.gather [hbm4b:s6+s4], $0x20, v11, vm0, $0xb8;
	[tilespmem:$0x1B170] =	vst v63  }
0x77: {  	_ =	swait.ge [sflag:s17], $0x200  }
0x78: {  	[sflag:s17] =	ssyncset.done $0x0  }
0x79: {  	[sflag:s17] =	ssyncadd.s32 $0xFFFFFE00  }
0x7a: {  	_ =	swait.ge [sflag:s17], $0x200  }
0x7b: {  	[sflag:s17] =	ssyncset.done $0x0  }
0x7c: {  	[sflag:s17] =	ssyncadd.s32 $0xFFFFFE00  }
0x7d: {  	_ =	swait.ge [sflag:s17], $0x200  }
0x7e: {  	[sflag:s17] =	ssyncset.done $0x0  }
0x7f: {  	[sflag:s17] =	ssyncadd.s32 $0xFFFFFE00  }
0x80: {  	_ =	swait.ge [sflag:s17], $0x200  }
0x81: {  	[sflag:s17] =	ssyncset.done $0x0  }
0x82: {  	[sflag:s17] =	ssyncadd.s32 $0xFFFFFE00  }
0x83: {  	_ =	swait.ge [sflag:s17], $0x200  }
0x84: {  	[sflag:s17] =	ssyncset.done $0x0  }
0x85: {  	[sflag:s17] =	ssyncadd.s32 $0xFFFFFE00  }
0x86: {  	_ =	swait.ge [sflag:s17], $0x200  }
0x87: {  	[sflag:s17] =	ssyncset.done $0x0  }
0x88: {  	[sflag:s17] =	ssyncadd.s32 $0xFFFFFE00  }
0x89: {  	_ =	swait.ge [sflag:s17], $0x200  }
0x8a: {  	[sflag:s17] =	ssyncset.done $0x0  }
0x8b: {  	[sflag:s17] =	ssyncadd.s32 $0xFFFFFE00  }
0x8c: {  	_ =	swait.ge [sflag:s17], $0x200  }
0x8d: {  	[sflag:s17] =	ssyncset.done $0x0  }
0x8e: {  	[sflag:s17] =	ssyncadd.s32 $0xFFFFFE00  }
0x8f: {  	v11 =	vld [tilespmem:s2+$0xFFFFFFC0];
	_ =	sdelay $0x7  }
0x90: {  	[spmem:s3] =	stream.indirect_vreg.scatter.add.f32 [tilespmem:s18], [sflag:$0x2], $0x20, v11, vm0, $0xb8;
	[tilespmem:$0x1B170] =	vst v63  }
0x91: {  	v11 =	vld [tilespmem:s2+$0xFFFFFFD0];
	_ =	sdelay $0x7  }
0x92: {  	[spmem:s3] =	stream.indirect_vreg.scatter.add.f32 [tilespmem:s19], [sflag:$0x2], $0x20, v11, vm0, $0xb8;
	[tilespmem:$0x1B170] =	vst v63  }
0x93: {  	v11 =	vld [tilespmem:s2+$0xFFFFFFE0];
	_ =	sdelay $0x7  }
0x94: {  	[spmem:s3] =	stream.indirect_vreg.scatter.add.f32 [tilespmem:s20], [sflag:$0x2], $0x20, v11, vm0, $0xb8;
	[tilespmem:$0x1B170] =	vst v63  }
0x95: {  	v11 =	vld [tilespmem:s2+$0xFFFFFFF0];
	_ =	sdelay $0x7  }
0x96: {  	[spmem:s3] =	stream.indirect_vreg.scatter.add.f32 [tilespmem:s21], [sflag:$0x2], $0x20, v11, vm0, $0xb8;
	[tilespmem:$0x1B170] =	vst v63  }
0x97: {  	v11 =	vld [tilespmem:s2+$0x0];
	_ =	sdelay $0x7  }
0x98: {  	[spmem:s3] =	stream.indirect_vreg.scatter.add.f32 [tilespmem:s22], [sflag:$0x2], $0x20, v11, vm0, $0xb8;
	[tilespmem:$0x1B170] =	vst v63  }
0x99: {  	v11 =	vld [tilespmem:s2+$0x10];
	_ =	sdelay $0x7  }
0x9a: {  	[spmem:s3] =	stream.indirect_vreg.scatter.add.f32 [tilespmem:s23], [sflag:$0x2], $0x20, v11, vm0, $0xb8;
	[tilespmem:$0x1B170] =	vst v63  }
0x9b: {  	v11 =	vld [tilespmem:s2+$0x20];
	_ =	sdelay $0x7  }
0x9c: {  	[spmem:s3] =	stream.indirect_vreg.scatter.add.f32 [tilespmem:s24], [sflag:$0x2], $0x20, v11, vm0, $0xb8;
	[tilespmem:$0x1B170] =	vst v63  }
0x9d: {  	v11 =	vld [tilespmem:s2+$0x30];
	_ =	sdelay $0x7  }
0x9e: {  	[spmem:s3] =	stream.indirect_vreg.scatter.add.f32 [tilespmem:s25], [sflag:$0x2], $0x20, v11, vm0, $0xb8;
	[tilespmem:$0x1B170] =	vst v63  }
0x9f: {  	_ =	swait.ge [sflag:s26], $0x200  }
0xa0: {  	[sflag:s26] =	ssyncset.done $0x0  }
0xa1: {  	[sflag:s26] =	ssyncadd.s32 $0xFFFFFE00  }
0xa2: {  	_ =	swait.ge [sflag:s26], $0x200  }
0xa3: {  	[sflag:s26] =	ssyncset.done $0x0  }
0xa4: {  	[sflag:s26] =	ssyncadd.s32 $0xFFFFFE00  }
0xa5: {  	_ =	swait.ge [sflag:s26], $0x200  }
0xa6: {  	[sflag:s26] =	ssyncset.done $0x0  }
0xa7: {  	[sflag:s26] =	ssyncadd.s32 $0xFFFFFE00  }
0xa8: {  	_ =	swait.ge [sflag:s26], $0x200  }
0xa9: {  	[sflag:s26] =	ssyncset.done $0x0  }
0xaa: {  	[sflag:s26] =	ssyncadd.s32 $0xFFFFFE00  }
0xab: {  	_ =	swait.ge [sflag:s26], $0x200  }
0xac: {  	[sflag:s26] =	ssyncset.done $0x0  }
0xad: {  	[sflag:s26] =	ssyncadd.s32 $0xFFFFFE00  }
0xae: {  	_ =	swait.ge [sflag:s26], $0x200  }
0xaf: {  	[sflag:s26] =	ssyncset.done $0x0  }
0xb0: {  	[sflag:s26] =	ssyncadd.s32 $0xFFFFFE00  }
0xb1: {  	p0 =	sne.s32 s31, $0x1;
	_ =	swait.ge [sflag:s26], $0x200  }
.Ltmp6:
0xb2: {  	[sflag:s26] =	ssyncset.done $0x0;
	(pc) =	sbr.rel @p0 .LBB2_6-.Ltmp6, $4  }
0xb3: {  	[sflag:s26] =	ssyncadd.s32 $0xFFFFFE00  }
0xb4: {  	_ =	swait.ge [sflag:s26], $0x200  }
0xb5: {  	s31 =	sadd.s32 $0xFFFFFFFF, s31;
	[sflag:s26] =	ssyncset.done $0x0  }
0xb6: {  	s0 =	sadd.s32 $0x80, s0;
	s2 =	sadd.s32 $0x80, s2;
	[sflag:s26] =	ssyncadd.s32 $0xFFFFFE00  }
.Ltmp7:
0xb7: {  	_ = 	snop;
	(pc) =	sbr.rel .LBB2_7-.Ltmp7, $1  }
0xb8: {  	_ =	sdelay $0x3  }
.LBB2_9:
0xb9: {  	_ =	sfence.sel $0x180000  }
0xba: {  	[bflag:$0x0] =	sbarrier.arrive $0xFFFF  }
0xbb: {  	_ =	strace $0x90000047  }
0xbc: {  	s0 =	stileid.u32;
	[bflag:$0x2] =	sbarrier.arrive $0xFFFF  }
0xbd: {  	p0 =	sne.s32 s0, $0x0;
	s0 =	rddreg [dreg:$0x4]  }
0xbe: {  	s0 =	sadd.s32 @!p0 $0x100000, s0  }
0xbf: {  	[sflag:s0] =	ssyncadd.tile.s32 @!p0 $0x1;
	_ =	shalt  }
.Lfunc_end2:
_tile_overlayer_lowered:
.L_overlay_start_2:
0xc0: {  	(tag) =	ssettag $0x2  }
0xc1: {  	s0 =	rddreg [dreg:$0x0];
	s2 =	stileid.u32  }
0xc2: {  	s1 =	rddreg [dreg:$0x1];
	p0 =	sne.s32 s2, $0x0  }
0xc3: {  	s3 =	rddreg [dreg:$0x2];
	[bflag:$0x3] =	sbarrier.arrive $0xFFFF;
	s2 =	simm.s32 @!p0 $0x1C03  }
0xc4: {  	[timem:s3], [sflag:s2] =	dma.local @!p0 [hbm:s0], s1  }
0xc5: {  	s0 =	simm.s32 @!p0 $0x3  }
0xc6: {  	_ =	swait.ge @!p0 [sflag:s0], s1  }
0xc7: {  	s1 =	ssub.s32 @!p0 $0x0, s1;
	[sflag:s0] =	ssyncset.done @!p0 $0x0  }
0xc8: {  	[sflag:s0] =	ssyncadd.s32 @!p0 s1  }
0xc9: {  	[bflag:$0x3] =	sbarrier.arrive $0xFFFF  }
0xca: {  	_ =	shalt  }

// kernel: sparse-core-data-format-call.cloned.1.call-start
scs
called_computation_lowered:
.L_overlay_start_0:
0x0: {  	s2 =	sld [smem:$0x3FD9]  }
0x1: {  	s3 =	sld [smem:$0x3FFE];
	_ =	sdelay $0x1  }
0x2: {  	s1 =	srdreg.scid  }
0x3: {  	s0 =	sand.u32 $0x1, s1  }
0x4: {  	s18 =	sshll.u32 s0, $0xA;
	s2 =	sadd.s32 s3, s2  }
0x5: {  	s2 =	sadd.s32 s2, s18  }
0x6: {  	[smem:$0x3FC5] =	sst s2  }
0x7: {  	_ = 	snop  }
0x8: {  	s2 =	sld [smem:$0x3FD0];
	(tm) =	ssettm $0x1  }
0x9: {  	s19 =	sld [smem:$0x3FFB];
	_ =	sdelay $0x3  }
0xa: {  	_ =	strace s19  }
0xb: {  	s3 =	sld [smem:$0x3FFC];
	_ =	sdelay $0x3  }
0xc: {  	_ =	strace s3  }
0xd: {  	s3 =	sld [smem:$0x3FFD];
	_ =	sdelay $0x3  }
0xe: {  	_ =	strace s3  }
0xf: {  	_ =	strace $0x8FFFFFFF  }
0x10: {  	s20 =	sld [smem:$0x3FDB];
	_ =	sdelay $0x1  }
0x11: {  	s4 =	simm.s32 $_scs_section_size  }
0x12: {  	s5 =	simm.s32 $_size__tile_overlayer_lowered;
	s6 =	simm.s32 $_tile_overlayer_lowered  }
0x13: {  	s23 =	simm.s32 $0x1BFF;
	s22 =	sshll.u32 s6, $0x1;
	s3 =	sadd.s32 s4, s20  }
0x14: {  	s7 =	simm.s32 $0x0;
	s21 =	sshll.u32 s5, $0x1;
	s5 =	sadd.s32 s22, s3  }
0x15: {  	[timem:s7], [sflag:s23] =	dma.local [hbm:s5], s21  }
0x16: {  	_ =	swait.ge [sflag:s23], s21  }
0x17: {  	s4 =	ssub.s32 $0x0, s21;
	[sflag:s23] =	ssyncset.done $0x0  }
0x18: {  	[sflag:s23] =	ssyncadd.s32 s4;
	_ =	sdelay $0x1  }
0x19: {  	s24 =	simm.s32 $0x1B8B  }
0x1a: {  	_ =	swait.ge [sflag:s24], $0x1  }
0x1b: {  	[sflag:s24] =	ssyncset.done $0x0  }
0x1c: {  	s26 =	simm.s32 $0x1B8E;
	s25 =	sld [smem:$0x3FFE];
	[sflag:s24] =	ssyncadd.s32 $0xFFFFFFFF  }
0x1d: {  	s27 =	simm.s32 $execute0_lowered;
	[smem:$0x3FD2] =	sst s26  }
0x1e: {  	s5 =	sshll.u32 s27, $0x1;
	_ =	strace $0x80000049;
	[dreg:$0x1] =	wrdreg $0xFFFFFFFF  }
0x1f: {  	s28 =	simm.s32 $_size_execute0_lowered;
	s3 =	sadd.s32 s3, s5;
	[dreg:$0x0] =	wrdreg $0x0  }
0x20: {  	s5 =	sshll.u32 s28, $0x1;
	[dreg:$0x2] =	wrdreg s3  }
0x21: {  	[dreg:$0x3] =	wrdreg s5  }
0x22: {  	[dreg:$0x4] =	wrdreg $0xC0  }
0x23: {  	_ =	task [dreg:s7], $0x5FFFF  }
0x24: {  	[dreg:$0x1] =	wrdreg $0xFFFFFFFF  }
0x25: {  	[dreg:$0x0] =	wrdreg $0x60  }
0x26: {  	[dreg:$0x2] =	wrdreg s25  }
0x27: {  	[dreg:$0x3] =	wrdreg s2  }
0x28: {  	[dreg:$0x4] =	wrdreg $0x9  }
0x29: {  	_ =	task.clear_ibuf [dreg:s7], $0x5FFFF;
	_ =	strace $0x90000049  }
0x2a: {  	s29 =	simm.s32 $0x9;
	_ =	strace $0x8000004B  }
0x2b: {  	_ =	swait.ge [sflag:s29], $0x1  }
0x2c: {  	[sflag:s29] =	ssyncadd.s32 $0xFFFFFFFF  }
0x2d: {  	_ =	strace $0x9000004B  }
0x2e: {  	_ =	sfence  }
0x2f: {  	s30 =	sld [smem:$0x0];
	_ =	sdelay $0x2  }
0x30: {  	s31 =	sshll.u32 s1, $0xD;
	s1 =	sshrl.u32 s1, $0x2  }
0x31: {  	s3 =	sand.u32 $0x4000, s31;
	s1 =	sadd.s32 s1, s30  }
0x32: {  	s0 =	sor.u32 s3, s0;
	s1 =	sshll.u32 s1, $0x11  }
0x33: {  	s0 =	sor.u32 s1, s0  }
0x34: {  	s0 =	sadd.s32 $0x8F2B, s0  }
0x35: {  	[sflag:s0] =	ssyncadd.remote.s32 $0x1  }
0x36: {  	_ =	sfence.sel $0xFFFF  }
0x37: {  	[dreg:$0x0] =	wrdreg $0xFFFFFFFF;
	(pc) =	sbr.abs _section_cstart, $3  }
0x38: {  	[dreg:$0x1] =	wrdreg $0xFFFFFFFF  }
0x39: {  	_ =	task.clear_ibuf [dreg:s7], $0x2FFFF;
	_ =	strace $0x9FFFFFFF  }
0x3a: {  	(tm) =	ssettm $0x7FFFFFFF  }
0x3b: {  	_ =	shalt  }
tec
execute0_lowered:
.L_overlay_start_1:
0x0: {  	(tag) =	ssettag $0x1  }
0x1: {  	s4 =	rddreg [dreg:$0x0]  }
0x2: {  	s0 =	srdreg.scid;
	s2 =	rddreg [dreg:$0x1]  }
0x3: {  	s1 =	stileid.u32;
	s5 =	simm.s32 $0x1;
	s0 =	sshll.u32 s0, $0x4  }
0x4: {  	s7 =	simm.s32 $0x2;
	s11 =	simm.s32 $0x0;
	s3 =	sand.u32 $0x10, s0  }
.Ltmp0:
0x5: {  	p0 =	por $0x0, $0x0;
	s3 =	sor.u32 s1, s3;
	(pc) =	sbr.rel .LBB1_1-.Ltmp0, $4  }
0x6: {  	s8 =	simm.s32 $0x7A1400;
	s10 =	simm.s32 $0x0;
	s3 =	sshll.u32 s3, $0x7  }
0x7: {  	s0 =	rddreg [dreg:$0x2];
	_ =	strace $0x8000004A;
	s6 =	ssub.s32 $0xF4200, s3  }
0x8: {  	s4 =	sadd.s32 $0x3D1200, s4;
	[sflag:s5] =	ssyncpa.u1 $0x0;
	s6 =	sshrl.u32 s6, $0xC  }
0x9: {  	[sflag:s7] =	ssyncpa.u1 $0x0;
	s9 =	smov.u32 s3;
	s7 =	sadd.s32 $0x2, s6  }
.LBB1_5:
0xa: {  	s13 =	sadd.s32 $0x1000, s9  }
0xb: {  	p2 =	sgt.s32 s13, $0xF423F  }
0xc: {  	s13 =	smov.u32 @p2 s3;
	p2 =	sne.s32 s10, s7  }
.Ltmp1:
0xd: {  	p1 =	slt.u32 s10, $0x2;
	(pc) =	sbr.rel @!p2 .LBB1_6-.Ltmp1, $4  }
0xe: {  	s12 =	simm.s32 @!p1 $0x2  }
0xf: {  	s14 =	sadd.s32 $0x1, s10;
	_ =	swait.ge @!p1 [sflag:s12], $0x1000  }
0x10: {  	s11 =	smov.u32 s9;
	p0 =	por !p0, !p0;
	[sflag:s12] =	ssyncset.done @!p1 $0x0  }
0x11: {  	s10 =	smov.u32 s14;
	s9 =	smov.u32 s13;
	[sflag:s12] =	ssyncadd.s32 @!p1 $0xFFFFF000  }
.LBB1_1:
0x12: {  	p1 =	sgt.u32 s10, s6  }
0x13: {  	s13 =	smov.u32 s9;
	p2 =	sgt.s32 @!p1 s9, $0xF41C0  }
0x14: {  	s12 =	sand.u32 @!p1 $0x1FFFFFF, s9;
	s14 =	sshra.s32 @!p1 s9, $0x1F;
	p2 =	por !p2, p1  }
0x15: {  	s15 =	smulhi.u32 @!p1 $0x218DEF5, s12;
	s14 =	sand.u32 @!p1 s14, s9;
	s13 =	simm.s32 @p2 $0xF41C0  }
0x16: {  	s13 =	ssub.s32 @!p1 s13, s14  }
0x17: {  	s14 =	sshrl.u32 @!p1 s15, $0xD;
	s13 =	sadd.s32 @!p1 $0xFFF0BE40, s13  }
0x18: {  	s15 =	sxor.u32 @!p1 $0xFFFFFFFF, s10;
	s14 =	smul.u32 @!p1 $0xF4240, s14;
	s16 =	sshll.u32 @!p1 s13, $0x7  }
0x19: {  	s15 =	sshll.u32 @!p1 s15, $0xC;
	p2 =	sgt.s32 @!p1 s13, $0x7F;
	s13 =	ssub.s32 @!p1 $0x4000, s16  }
0x1a: {  	s12 =	ssub.s32 @!p1 s12, s14;
	p2 =	por !p2, p1;
	s14 =	sand.u32 @!p1 $0x1000, s15  }
0x1b: {  	s15 =	simm.s32 @!p1 $0x20;
	s13 =	sshrl.u32 @!p1 s13, $0x2;
	s12 =	sshll.u32 @!p1 s12, $0x4  }
0x1c: {  	s16 =	simm.s32 @!p1 $0x80;
	s13 =	simm.s32 @!p2 $0x0;
	s12 =	sadd.s32 @!p1 s4, s12  }
0x1d: {  	[tilespmem:s14], [sflag:$0x1] =	stream.strided.gather @!p1 [hbm4b:s12+s15], s13, s16, s15, $0x38;
	[tilespmem:$0x4040] =	vst v63  }
0x1e: {  	p1 =	seq.s32 s10, $0x0  }
0x1f: {  	p2 =	sge.u32 @!p1 s10, s7  }
0x20: {  	p1 =	por p1, p2  }
.Ltmp2:
0x21: {  	_ = 	snop;
	(pc) =	sbr.rel @p1 .LBB1_5-.Ltmp2, $1  }
0x22: {  	_ =	sdelay $0x3  }
0x23: {  	p1 =	sgt.s32 s11, $0xF41C0;
	s12 =	smov.u32 s11;
	s13 =	sshra.s32 s11, $0x1F  }
0x24: {  	s12 =	simm.s32 @!p1 $0xF41C0;
	s13 =	sand.u32 s13, s11  }
0x25: {  	s12 =	ssub.s32 s12, s13  }
0x26: {  	s12 =	sadd.s32 $0xFFF0BE40, s12  }
0x27: {  	s28 =	sshll.u32 s12, $0x7  }
0x28: {  	s13 =	ssub.s32 $0x4000, s28  }
0x29: {  	p1 =	sgt.s32 s12, $0x7F;
	s12 =	sshrl.u32 s13, $0x2  }
0x2a: {  	s13 =	simm.s32 $0x1;
	s12 =	simm.s32 @p1 $0x0  }
0x2b: {  	s13 =	simm.s32 @!p0 $0x0;
	_ =	swait.ge [sflag:s5], s12  }
0x2c: {  	s14 =	sshll.u32 s13, $0xC;
	s12 =	ssub.s32 $0x0, s12;
	[sflag:s5] =	ssyncset.done $0x0  }
0x2d: {  	s16 =	sor.u32 $0x10, s14;
	[sflag:s5] =	ssyncadd.s32 s12  }
0x2e: {  	s29 =	smul.u32 $0x4080, s13;
	v1 =	vld [tilespmem:s16+$0x0]  }
0x2f: {  	s30 =	sand.u32 $0x1, s10;
	v0 =	vld [tilespmem:s16+$0xFFFFFFF0]  }
0x30: {  	s13 =	smul.u32 $0x4080, s30;
	s12 =	sshrl.u32 s29, $0x2  }
0x31: {  	s14 =	sor.u32 $0x2000, s12  }
0x32: {  	s31 =	sshrl.u32 s13, $0x2;
	s13 =	sadd.s32 $0x0, s14  }
0x33: {  	s15 =	simm.s32 $0x4;
	s12 =	sor.u32 $0x2000, s31;
	s16 =	sadd.s32 $0x20, s16;
	[tilespmem:s13+$0x810 ss:$0x81] =	vst.msk $0xffff, v1  }
.LBB1_3:
0x34: {  	v1 =	vld [tilespmem:s16+$0x0];
	p1 =	sne.s32 s15, $0x1FC;
	[tilespmem:s13+$0x0 ss:$0x81] =	vst.msk $0xffff, v0;
	s13 =	smov.u32 s15;
	s15 =	sadd.s32 $0x4, s15  }
.Ltmp3:
0x35: {  	v0 =	vld [tilespmem:s16+$0xFFFFFFF0];
	(pc) =	sbr.rel @p1 .LBB1_3-.Ltmp3, $4  }
0x36: {  	_ = 	snop  }
0x37: {  	s13 =	sshra.s32 s13, $0x2  }
0x38: {  	s13 =	sadd.s32 s13, s14  }
0x39: {  	s16 =	sadd.s32 $0x20, s16;
	[tilespmem:s13+$0x810 ss:$0x81] =	vst.msk $0xffff, v1  }
0x3a: {  	s14 =	sshll.u32 s11, $0x3  }
0x3b: {  	s30 =	sand.u32 $0x7F, s11;
	s14 =	sand.u32 $0xFFFFFC00, s14  }
0x3c: {  	s11 =	sor.u32 s30, s14  }
0x3d: {  	s15 =	smulhi.u32 $0x218D6287, s11;
	_ =	sdelay $0x1  }
0x3e: {  	s14 =	smulhi.u32 $0x218D6287, s14;
	s15 =	sshrl.u32 s15, $0x11  }
0x3f: {  	s15 =	smul.u32 $0xF4280, s15  }
0x40: {  	s14 =	sshrl.u32 s14, $0x11  }
.Ltmp4:
0x41: {  	s14 =	sand.u32 $0x1F, s14;
	s11 =	ssub.s32 s11, s15;
	(pc) =	sbr.rel .LBB1_5-.Ltmp4, $4  }
0x42: {  	s14 =	smul.u32 $0x1E850, s14;
	s15 =	sshrl.u32 s11, $0x3;
	s11 =	sand.u32 $0x7, s11  }
0x43: {  	s15 =	sadd.s32 s2, s15;
	s11 =	sshll.u32 s11, $0x12  }
0x44: {  	[tilespmem:s13+$0x0 ss:$0x81] =	vst.msk $0xffff, v0;
	s31 =	sadd.s32 s14, s15;
	s11 =	sor.u32 $0x400, s11  }
0x45: {  	[hbm4b:s31+s11] =	stream.strided.scatter [tilespmem:s12], [sflag:$0x2], $0x1000, s8, s11, $0x20;
	[tilespmem:$0x4040] =	vst v63  }
.LBB1_6:
0x46: {  	_ =	sfence.sel $0x180000  }
0x47: {  	s2 =	simm.s32 $0x1;
	[bflag:$0x0] =	sbarrier.arrive $0xFFFF  }
0x48: {  	s31 =	simm.s32 $0x2;
	[sflag:s2] =	ssyncpa.u1 $0x1  }
0x49: {  	[sflag:s31] =	ssyncpa.u1 $0x1  }
0x4a: {  	p0 =	sne.s32 s1, $0x0;
	_ =	strace $0x9000004A  }
0x4b: {  	s0 =	sadd.s32 @!p0 $0x100000, s0;
	[bflag:$0x2] =	sbarrier.arrive $0xFFFF  }
0x4c: {  	[sflag:s0] =	ssyncadd.tile.s32 @!p0 $0x1;
	_ =	shalt  }
.Lfunc_end1:
_tile_overlayer_lowered:
.L_overlay_start_2:
0x4d: {  	(tag) =	ssettag $0x2  }
0x4e: {  	s0 =	rddreg [dreg:$0x0];
	s2 =	stileid.u32  }
0x4f: {  	s1 =	rddreg [dreg:$0x1];
	p0 =	sne.s32 s2, $0x0  }
0x50: {  	s3 =	rddreg [dreg:$0x2];
	[bflag:$0x3] =	sbarrier.arrive $0xFFFF;
	s2 =	simm.s32 @!p0 $0x1C01  }
0x51: {  	[timem:s3], [sflag:s2] =	dma.local @!p0 [hbm:s0], s1  }
0x52: {  	s0 =	simm.s32 @!p0 $0x1  }
0x53: {  	_ =	swait.ge @!p0 [sflag:s0], s1  }
0x54: {  	s1 =	ssub.s32 @!p0 $0x0, s1;
	[sflag:s0] =	ssyncset.done @!p0 $0x0  }
0x55: {  	[sflag:s0] =	ssyncadd.s32 @!p0 s1  }
0x56: {  	[bflag:$0x3] =	sbarrier.arrive $0xFFFF  }
0x57: {  	_ =	shalt  }

</sc_bundles>
